<compile_context>
chip_gen: v7x
topology: tpu7x:2x2x1
jax: 0.10.2.dev20260603
libtpu: 0.0.44.dev20260713+nightly
codegen_flags: <defaults>
</compile_context>

<pallas_src>
import functools

import jax
import jax.numpy as jnp
from jax import lax
from jax.experimental import pallas as pl
from jax.experimental.pallas import tpu as pltpu
from jax.experimental.pallas import tpu_sc as plsc

N = 10000
E = 320000
D = 128
NUM_SUBCORES = 16
CHUNK = 125
EDGES_PER_TILE = E // NUM_SUBCORES
NCHUNK = EDGES_PER_TILE // CHUNK
SUBCH = 16
NBLOCK = NCHUNK // SUBCH
N_PAD = 10240
NPT = N_PAD // NUM_SUBCORES


def _seg_body(h_hbm, c_hbm, src_hbm, dst_hbm, zeros_hbm, hsum_out, csum_out,
              acc, src_buf, dst_buf, rows0, rows1, sem0, sem1):
    cid = lax.axis_index("c")
    sid = lax.axis_index("s")
    row0 = sid * NPT

    pltpu.sync_copy(zeros_hbm, acc.at[pl.ds(row0, NPT)])
    plsc.subcore_barrier()

    def accumulate(table_ref):
        def outer(b, _):
            pltpu.sync_copy(src_hbm.at[sid, pl.ds(b * SUBCH, SUBCH)], src_buf)
            pltpu.sync_copy(dst_hbm.at[sid, pl.ds(b * SUBCH, SUBCH)], dst_buf)

            def body(j2, _):
                j = j2 * 2
                d0 = pltpu.async_copy(table_ref.at[src_buf.at[j]], rows0, sem0)
                d1 = pltpu.async_copy(table_ref.at[src_buf.at[j + 1]], rows1,
                                      sem1)
                d0.wait()
                pltpu.sync_copy(rows0, acc.at[dst_buf.at[j]], add=True)
                d1.wait()
                pltpu.sync_copy(rows1, acc.at[dst_buf.at[j + 1]], add=True)
                return _
            lax.fori_loop(0, SUBCH // 2, body, None)
            return _
        lax.fori_loop(0, NBLOCK, outer, None)

    @pl.when(cid == 0)
    def _():
        accumulate(h_hbm)

    @pl.when(cid == 1)
    def _():
        accumulate(c_hbm)

    plsc.subcore_barrier()

    @pl.when(cid == 0)
    def _():
        pltpu.sync_copy(acc.at[pl.ds(row0, NPT)], hsum_out.at[pl.ds(row0, NPT)])

    @pl.when(cid == 1)
    def _():
        pltpu.sync_copy(acc.at[pl.ds(row0, NPT)], csum_out.at[pl.ds(row0, NPT)])


_segment_sums = functools.partial(
    pl.kernel,
    out_type=(
        jax.ShapeDtypeStruct((N_PAD, D), jnp.float32),
        jax.ShapeDtypeStruct((N_PAD, D), jnp.float32),
    ),
    mesh=plsc.VectorSubcoreMesh(core_axis_name="c", subcore_axis_name="s"),
    scratch_types=(
        pltpu.VMEM_SHARED((N_PAD, D), jnp.float32),
        pltpu.VMEM((SUBCH, CHUNK), jnp.int32),
        pltpu.VMEM((SUBCH, CHUNK), jnp.int32),
        pltpu.VMEM((CHUNK, D), jnp.float32),
        pltpu.VMEM((CHUNK, D), jnp.float32),
        pltpu.SemaphoreType.DMA,
        pltpu.SemaphoreType.DMA,
    ),
)(_seg_body)


_BLK = 1000


def _gates_body(x_r, h_r, hs_r, cs_r, wiou_r, uiou_r, biou_r, ufw_r, ufb_r,
                wf_r, bf_r, hn_r, cn_r):
    xb = x_r[...]
    hb = h_r[...]
    f = jax.nn.sigmoid(
        jnp.dot(xb, wf_r[...], preferred_element_type=jnp.float32)
        + jnp.dot(hb, ufw_r[...], preferred_element_type=jnp.float32)
        + ufb_r[...] + bf_r[...])
    iou = (jnp.dot(xb, wiou_r[...], preferred_element_type=jnp.float32)
           + jnp.dot(hs_r[...], uiou_r[...], preferred_element_type=jnp.float32)
           + biou_r[...])
    i = jax.nn.sigmoid(iou[:, :D])
    o = jax.nn.sigmoid(iou[:, D:2 * D])
    u = jnp.tanh(iou[:, 2 * D:])
    c_new = i * u + f * cs_r[...]
    cn_r[...] = c_new
    hn_r[...] = o * jnp.tanh(c_new)


def _gates_tc(x, h, h_sum, c_sum, W_iou, U_iou, b_iou, U_f_w, U_f_b2, W_f, b_f):
    grid = (N // _BLK,)
    row_spec = pl.BlockSpec((_BLK, D), lambda i: (i, 0))
    full = lambda shape: pl.BlockSpec(shape, lambda i: (0,) * len(shape))
    return pl.pallas_call(
        _gates_body,
        grid=grid,
        in_specs=[
            row_spec, row_spec, row_spec, row_spec,
            full((D, 3 * D)), full((D, 3 * D)), full((1, 3 * D)),
            full((D, D)), full((1, D)), full((D, D)), full((1, D)),
        ],
        out_specs=[row_spec, row_spec],
        out_shape=[
            jax.ShapeDtypeStruct((N, D), jnp.float32),
            jax.ShapeDtypeStruct((N, D), jnp.float32),
        ],
    )(x, h, h_sum, c_sum, W_iou, U_iou, b_iou, U_f_w, U_f_b2, W_f, b_f)


@jax.jit
def kernel(x, h, c, edge_index, W_iou, U_iou, b_iou, U_f_w, U_f_b, W_f, b_f):
    src3d = edge_index[0].reshape(NUM_SUBCORES, NCHUNK, CHUNK)
    dst3d = edge_index[1].reshape(NUM_SUBCORES, NCHUNK, CHUNK)
    zeros = jnp.zeros((NPT, D), dtype=jnp.float32)
    h_sum, c_sum = _segment_sums(h, c, src3d, dst3d, zeros)
    return _gates_tc(x, h, h_sum, c_sum, W_iou, U_iou, b_iou, U_f_w,
                     U_f_b.reshape(1, D), W_f, b_f)

# --- scband reference (transcript-rebuilt; emitter-appended) ---
"""Pipeline reference for scband-tree-lstmcell-29386166239562 (READ-ONLY COPY).

The authoritative reference and input builder live on the scoring server;
editing this copy changes nothing except your own understanding.
"""

import jax, jax.numpy as jnp
import numpy as np


def setup_inputs(seed: int = 0) -> dict:
    key = jax.random.key(seed)
    ks = jax.random.split(key, 12)
    N = 10000
    E = 320000
    x_size = 128
    h_size = 128
    x = jax.random.normal(ks[0], (N, x_size), dtype=jnp.float32)
    h = jax.random.normal(ks[1], (N, h_size), dtype=jnp.float32)
    c = jax.random.normal(ks[2], (N, h_size), dtype=jnp.float32)
    edge_index = jax.random.randint(ks[3], (2, E), 0, N, dtype=jnp.int32)
    sx = 1.0 / np.sqrt(x_size)
    sh = 1.0 / np.sqrt(h_size)
    # Parameters stored as [in, out] so forward is x @ W
    W_iou = jax.random.uniform(ks[4], (x_size, 3 * h_size), minval=-sx, maxval=sx, dtype=jnp.float32)
    U_iou = jax.random.uniform(ks[5], (h_size, 3 * h_size), minval=-sh, maxval=sh, dtype=jnp.float32)
    b_iou = jnp.zeros((1, 3 * h_size), dtype=jnp.float32)
    U_f_w = jax.random.uniform(ks[6], (h_size, h_size), minval=-sh, maxval=sh, dtype=jnp.float32)
    U_f_b = jax.random.uniform(ks[7], (h_size,), minval=-sh, maxval=sh, dtype=jnp.float32)
    W_f = jax.random.uniform(ks[8], (x_size, h_size), minval=-sx, maxval=sx, dtype=jnp.float32)
    b_f = jnp.zeros((1, h_size), dtype=jnp.float32)
    return {"x": x, "h": h, "c": c, "edge_index": edge_index,
            "W_iou": W_iou, "U_iou": U_iou, "b_iou": b_iou,
            "U_f_w": U_f_w, "U_f_b": U_f_b, "W_f": W_f, "b_f": b_f}


def reference(x, h, c, edge_index, W_iou, U_iou, b_iou, U_f_w, U_f_b, W_f, b_f):
    # Edge-list translation of the DGL TreeLSTMCell message/reduce/apply:
    #   message: carry src node's h and c along each edge
    #   reduce:  h_sum = sum of child h; f = sigmoid(W_f x_dst + U_f h_dst + biases)
    #            (f is identical for every child in this implementation, so
    #             sum_j f * c_j == f * sum_j c_j); iou = W_iou x + U_iou h_sum + b_iou
    #   apply:   i,o,u gates -> c_new = i*u + c_reduced; h_new = o * tanh(c_new)
    N = x.shape[0]
    src = edge_index[0]
    dst = edge_index[1]
    h_msg = jnp.take(h, src, axis=0)          # gather (SparseCore)
    c_msg = jnp.take(c, src, axis=0)          # gather (SparseCore)
    h_sum = jax.ops.segment_sum(h_msg, dst, num_segments=N)   # scatter-add
    c_sum = jax.ops.segment_sum(c_msg, dst, num_segments=N)   # scatter-add
    f = jax.nn.sigmoid(x @ W_f + h @ U_f_w + U_f_b + b_f)
    c_red = f * c_sum
    iou = x @ W_iou + h_sum @ U_iou + b_iou
    i, o, u = jnp.split(iou, 3, axis=1)
    i = jax.nn.sigmoid(i)
    o = jax.nn.sigmoid(o)
    u = jnp.tanh(u)
    c_new = i * u + c_red
    h_new = o * jnp.tanh(c_new)
    return h_new, c_new

if __name__ == "__main__":
    import jax
    _d = setup_inputs()
    print(jax.jit(kernel)(*tuple(_d.values())))

</pallas_src>

<mosaic_0001>
#map = affine_map<(d0, d1) -> (0, 0)>
#map1 = affine_map<(d0, d1) -> (0, 0, 0)>
module attributes {stable_mosaic.version = 14 : i64} {
  func.func @_seg_body(%arg0: i32, %arg1: i32, %arg2: memref<10000x128xf32, #tpu.memory_space<hbm>>, %arg3: memref<10000x128xf32, #tpu.memory_space<hbm>>, %arg4: memref<16x160x125xi32, #tpu.memory_space<hbm>>, %arg5: memref<16x160x125xi32, #tpu.memory_space<hbm>>, %arg6: memref<640x128xf32, #tpu.memory_space<hbm>>, %arg7: memref<10240x128xf32, #tpu.memory_space<hbm>>, %arg8: memref<10240x128xf32, #tpu.memory_space<hbm>>, %arg9: memref<10240x128xf32, #tpu.memory_space<vmem_shared>>, %arg10: memref<16x125xi32, #tpu.memory_space<vmem>>, %arg11: memref<16x125xi32, #tpu.memory_space<vmem>>, %arg12: memref<125x128xf32, #tpu.memory_space<vmem>>, %arg13: memref<125x128xf32, #tpu.memory_space<vmem>>, %arg14: memref<!tpu.dma_semaphore, #tpu.memory_space<semaphore_mem>>, %arg15: memref<!tpu.dma_semaphore, #tpu.memory_space<semaphore_mem>>) attributes {dimension_semantics = [#tpu.dimension_semantics<core_parallel>, #tpu.dimension_semantics<subcore_parallel>], iteration_bounds = array<i64: 2, 16>, scalar_prefetch = 0 : i64, scratch_operands = 7 : i64, tpu.core_type = #tpu.core_type<sc_vector_subcore>, window_params = [{transform_indices = #map}, {transform_indices = #map}, {transform_indices = #map1}, {transform_indices = #map1}, {transform_indices = #map}, {transform_indices = #map}, {transform_indices = #map}]} {
    %mul3A = arith.constant 640 : i32
    %mul3A_0 = arith.muli %arg1, %mul3A : i32
    "tpu.region"() ({
      %run_scoped3A = tpu.sem_alloc : memref<!tpu.dma_semaphore, #tpu.memory_space<semaphore_mem>>
      %dma_start3A = arith.constant 0 : i32
      %dma_start3A_19 = tpu.memref_slice %arg9[%mul3A_0, %dma_start3A] : memref<10240x128xf32, #tpu.memory_space<vmem_shared>> -> memref<640x128xf32, #tpu.memory_space<vmem_shared>>
      tpu.enqueue_dma source(%arg6 : memref<640x128xf32, #tpu.memory_space<hbm>>) target(%dma_start3A_19 : memref<640x128xf32, #tpu.memory_space<vmem_shared>>) target_semaphore(%run_scoped3A : memref<!tpu.dma_semaphore, #tpu.memory_space<semaphore_mem>>)
      %dma_wait3A = arith.constant 0 : i32
      %dma_wait3A_20 = tpu.memref_slice %arg9[%mul3A_0, %dma_wait3A] : memref<10240x128xf32, #tpu.memory_space<vmem_shared>> -> memref<640x128xf32, #tpu.memory_space<vmem_shared>>
      tpu.wait_dma2 semaphore(%run_scoped3A : memref<!tpu.dma_semaphore, #tpu.memory_space<semaphore_mem>>) src(%arg6 : memref<640x128xf32, #tpu.memory_space<hbm>>) dst(%dma_wait3A_20 : memref<640x128xf32, #tpu.memory_space<vmem_shared>>)
      tpu.yield
    }) : () -> ()
    %barrier3A = arith.constant 0 : index
    tpu.barrier barrier_id(%barrier3A)
    %eq3A = arith.constant 0 : i32
    %eq3A_1 = arith.cmpi eq, %arg0, %eq3A : i32
    %convert_element_type3A = arith.extui %eq3A_1 : i1 to i32
    %cond3A = arith.constant 0 : i32
    %cond3A_2 = arith.cmpi ne, %convert_element_type3A, %cond3A : i32
    scf.if %cond3A_2 {
      %scan3A = arith.constant 0 : i32
      %scan3A_19 = arith.constant 10 : i32
      %scan3A_20 = arith.addi %scan3A, %scan3A_19 : i32
      %scan3A_21 = arith.constant 1 : i32
      scf.for %scan3A_23 = %scan3A to %scan3A_20 step %scan3A_21  : i32 {
        %mul3A_24 = arith.constant 16 : i32
        %mul3A_25 = arith.muli %scan3A_23, %mul3A_24 : i32
        "tpu.region"() ({
          %run_scoped3A = tpu.sem_alloc : memref<!tpu.dma_semaphore, #tpu.memory_space<semaphore_mem>>
          %dma_start3A = arith.constant 0 : i32
          %dma_start3A_33 = tpu.memref_slice %arg4[%arg1, %mul3A_25, %dma_start3A] : memref<16x160x125xi32, #tpu.memory_space<hbm>> -> memref<1x16x125xi32, #tpu.memory_space<hbm>>
          %dma_start3A_34 = tpu.memref_squeeze %dma_start3A_33 : memref<1x16x125xi32, #tpu.memory_space<hbm>> -> memref<16x125xi32, #tpu.memory_space<hbm>>
          %dma_start3A_35 = arith.constant 0 : i32
          %dma_start3A_36 = tpu.memref_slice %arg4[%arg1, %mul3A_25, %dma_start3A_35] : memref<16x160x125xi32, #tpu.memory_space<hbm>> -> memref<1x16x125xi32, #tpu.memory_space<hbm>>
          %dma_start3A_37 = tpu.memref_squeeze %dma_start3A_36 : memref<1x16x125xi32, #tpu.memory_space<hbm>> -> memref<16x125xi32, #tpu.memory_space<hbm>>
          tpu.enqueue_dma source(%dma_start3A_37 : memref<16x125xi32, #tpu.memory_space<hbm>>) target(%arg10 : memref<16x125xi32, #tpu.memory_space<vmem>>) target_semaphore(%run_scoped3A : memref<!tpu.dma_semaphore, #tpu.memory_space<semaphore_mem>>)
          %dma_wait3A = arith.constant 0 : i32
          %dma_wait3A_38 = tpu.memref_slice %arg4[%arg1, %mul3A_25, %dma_wait3A] : memref<16x160x125xi32, #tpu.memory_space<hbm>> -> memref<1x16x125xi32, #tpu.memory_space<hbm>>
          %dma_wait3A_39 = tpu.memref_squeeze %dma_wait3A_38 : memref<1x16x125xi32, #tpu.memory_space<hbm>> -> memref<16x125xi32, #tpu.memory_space<hbm>>
          %dma_wait3A_40 = arith.constant 0 : i32
          %dma_wait3A_41 = tpu.memref_slice %arg4[%arg1, %mul3A_25, %dma_wait3A_40] : memref<16x160x125xi32, #tpu.memory_space<hbm>> -> memref<1x16x125xi32, #tpu.memory_space<hbm>>
          %dma_wait3A_42 = tpu.memref_squeeze %dma_wait3A_41 : memref<1x16x125xi32, #tpu.memory_space<hbm>> -> memref<16x125xi32, #tpu.memory_space<hbm>>
          tpu.wait_dma2 semaphore(%run_scoped3A : memref<!tpu.dma_semaphore, #tpu.memory_space<semaphore_mem>>) src(%dma_wait3A_42 : memref<16x125xi32, #tpu.memory_space<hbm>>) dst(%arg10 : memref<16x125xi32, #tpu.memory_space<vmem>>)
          tpu.yield
        }) : () -> ()
        %mul3A_26 = arith.constant 16 : i32
        %mul3A_27 = arith.muli %scan3A_23, %mul3A_26 : i32
        "tpu.region"() ({
          %run_scoped3A = tpu.sem_alloc : memref<!tpu.dma_semaphore, #tpu.memory_space<semaphore_mem>>
          %dma_start3A = arith.constant 0 : i32
          %dma_start3A_33 = tpu.memref_slice %arg5[%arg1, %mul3A_27, %dma_start3A] : memref<16x160x125xi32, #tpu.memory_space<hbm>> -> memref<1x16x125xi32, #tpu.memory_space<hbm>>
          %dma_start3A_34 = tpu.memref_squeeze %dma_start3A_33 : memref<1x16x125xi32, #tpu.memory_space<hbm>> -> memref<16x125xi32, #tpu.memory_space<hbm>>
          %dma_start3A_35 = arith.constant 0 : i32
          %dma_start3A_36 = tpu.memref_slice %arg5[%arg1, %mul3A_27, %dma_start3A_35] : memref<16x160x125xi32, #tpu.memory_space<hbm>> -> memref<1x16x125xi32, #tpu.memory_space<hbm>>
          %dma_start3A_37 = tpu.memref_squeeze %dma_start3A_36 : memref<1x16x125xi32, #tpu.memory_space<hbm>> -> memref<16x125xi32, #tpu.memory_space<hbm>>
          tpu.enqueue_dma source(%dma_start3A_37 : memref<16x125xi32, #tpu.memory_space<hbm>>) target(%arg11 : memref<16x125xi32, #tpu.memory_space<vmem>>) target_semaphore(%run_scoped3A : memref<!tpu.dma_semaphore, #tpu.memory_space<semaphore_mem>>)
          %dma_wait3A = arith.constant 0 : i32
          %dma_wait3A_38 = tpu.memref_slice %arg5[%arg1, %mul3A_27, %dma_wait3A] : memref<16x160x125xi32, #tpu.memory_space<hbm>> -> memref<1x16x125xi32, #tpu.memory_space<hbm>>
          %dma_wait3A_39 = tpu.memref_squeeze %dma_wait3A_38 : memref<1x16x125xi32, #tpu.memory_space<hbm>> -> memref<16x125xi32, #tpu.memory_space<hbm>>
          %dma_wait3A_40 = arith.constant 0 : i32
          %dma_wait3A_41 = tpu.memref_slice %arg5[%arg1, %mul3A_27, %dma_wait3A_40] : memref<16x160x125xi32, #tpu.memory_space<hbm>> -> memref<1x16x125xi32, #tpu.memory_space<hbm>>
          %dma_wait3A_42 = tpu.memref_squeeze %dma_wait3A_41 : memref<1x16x125xi32, #tpu.memory_space<hbm>> -> memref<16x125xi32, #tpu.memory_space<hbm>>
          tpu.wait_dma2 semaphore(%run_scoped3A : memref<!tpu.dma_semaphore, #tpu.memory_space<semaphore_mem>>) src(%dma_wait3A_42 : memref<16x125xi32, #tpu.memory_space<hbm>>) dst(%arg11 : memref<16x125xi32, #tpu.memory_space<vmem>>)
          tpu.yield
        }) : () -> ()
        %scan3A_28 = arith.constant 0 : i32
        %scan3A_29 = arith.constant 8 : i32
        %scan3A_30 = arith.addi %scan3A_28, %scan3A_29 : i32
        %scan3A_31 = arith.constant 1 : i32
        scf.for %scan3A_33 = %scan3A_28 to %scan3A_30 step %scan3A_31  : i32 {
          %mul3A_34 = arith.constant 2 : i32
          %mul3A_35 = arith.muli %scan3A_33, %mul3A_34 : i32
          %dma_start3A = arith.constant 0 : i32
          %dma_start3A_36 = tpu.memref_slice %arg10[%mul3A_35, %dma_start3A] : memref<16x125xi32, #tpu.memory_space<vmem>> -> memref<1x125xi32, #tpu.memory_space<vmem>>
          %dma_start3A_37 = tpu.memref_squeeze %dma_start3A_36 : memref<1x125xi32, #tpu.memory_space<vmem>> -> memref<125xi32, #tpu.memory_space<vmem>>
          %dma_start3A_38 = arith.constant 0 : i32
          %dma_start3A_39 = arith.constant 0 : i32
          %dma_start3A_40 = tpu.memref_slice %arg2[%dma_start3A_38, %dma_start3A_39] : memref<10000x128xf32, #tpu.memory_space<hbm>> -> memref<10000x128xf32, #tpu.memory_space<hbm>>
          tpu.enqueue_indirect_dma source(%dma_start3A_40 : memref<10000x128xf32, #tpu.memory_space<hbm>>) target(%arg12 : memref<125x128xf32, #tpu.memory_space<vmem>>) offsets(%dma_start3A_37 : memref<125xi32, #tpu.memory_space<vmem>>) semaphore(%arg14 : memref<!tpu.dma_semaphore, #tpu.memory_space<semaphore_mem>>)
          %add3A = arith.constant 1 : i32
          %add3A_41 = arith.addi %mul3A_35, %add3A : i32
          %dma_start3A_42 = arith.constant 0 : i32
          %dma_start3A_43 = tpu.memref_slice %arg10[%add3A_41, %dma_start3A_42] : memref<16x125xi32, #tpu.memory_space<vmem>> -> memref<1x125xi32, #tpu.memory_space<vmem>>
          %dma_start3A_44 = tpu.memref_squeeze %dma_start3A_43 : memref<1x125xi32, #tpu.memory_space<vmem>> -> memref<125xi32, #tpu.memory_space<vmem>>
          %dma_start3A_45 = arith.constant 0 : i32
          %dma_start3A_46 = arith.constant 0 : i32
          %dma_start3A_47 = tpu.memref_slice %arg2[%dma_start3A_45, %dma_start3A_46] : memref<10000x128xf32, #tpu.memory_space<hbm>> -> memref<10000x128xf32, #tpu.memory_space<hbm>>
          tpu.enqueue_indirect_dma source(%dma_start3A_47 : memref<10000x128xf32, #tpu.memory_space<hbm>>) target(%arg13 : memref<125x128xf32, #tpu.memory_space<vmem>>) offsets(%dma_start3A_44 : memref<125xi32, #tpu.memory_space<vmem>>) semaphore(%arg15 : memref<!tpu.dma_semaphore, #tpu.memory_space<semaphore_mem>>)
          %dma_wait3A = arith.constant 0 : i32
          %dma_wait3A_48 = tpu.memref_slice %arg10[%mul3A_35, %dma_wait3A] : memref<16x125xi32, #tpu.memory_space<vmem>> -> memref<1x125xi32, #tpu.memory_space<vmem>>
          %dma_wait3A_49 = tpu.memref_squeeze %dma_wait3A_48 : memref<1x125xi32, #tpu.memory_space<vmem>> -> memref<125xi32, #tpu.memory_space<vmem>>
          %dma_wait3A_50 = arith.constant 0 : i32
          %dma_wait3A_51 = arith.constant 0 : i32
          %dma_wait3A_52 = tpu.memref_slice %arg2[%dma_wait3A_50, %dma_wait3A_51] : memref<10000x128xf32, #tpu.memory_space<hbm>> -> memref<10000x128xf32, #tpu.memory_space<hbm>>
          tpu.wait_indirect_dma semaphore(%arg14 : memref<!tpu.dma_semaphore, #tpu.memory_space<semaphore_mem>>) src(%dma_wait3A_52 : memref<10000x128xf32, #tpu.memory_space<hbm>>) dst(%arg12 : memref<125x128xf32, #tpu.memory_space<vmem>>)
          "tpu.region"() ({
            %run_scoped3A = tpu.sem_alloc : memref<!tpu.dma_semaphore, #tpu.memory_space<semaphore_mem>>
            %dma_start3A_61 = arith.constant 0 : i32
            %dma_start3A_62 = tpu.memref_slice %arg11[%mul3A_35, %dma_start3A_61] : memref<16x125xi32, #tpu.memory_space<vmem>> -> memref<1x125xi32, #tpu.memory_space<vmem>>
            %dma_start3A_63 = tpu.memref_squeeze %dma_start3A_62 : memref<1x125xi32, #tpu.memory_space<vmem>> -> memref<125xi32, #tpu.memory_space<vmem>>
            %dma_start3A_64 = arith.constant 0 : i32
            %dma_start3A_65 = arith.constant 0 : i32
            %dma_start3A_66 = tpu.memref_slice %arg9[%dma_start3A_64, %dma_start3A_65] : memref<10240x128xf32, #tpu.memory_space<vmem_shared>> -> memref<10240x128xf32, #tpu.memory_space<vmem_shared>>
            tpu.enqueue_indirect_dma source(%arg12 : memref<125x128xf32, #tpu.memory_space<vmem>>) target(%dma_start3A_66 : memref<10240x128xf32, #tpu.memory_space<vmem_shared>>) offsets(%dma_start3A_63 : memref<125xi32, #tpu.memory_space<vmem>>) semaphore(%run_scoped3A : memref<!tpu.dma_semaphore, #tpu.memory_space<semaphore_mem>>) {add = true}
            %dma_wait3A_67 = arith.constant 0 : i32
            %dma_wait3A_68 = tpu.memref_slice %arg11[%mul3A_35, %dma_wait3A_67] : memref<16x125xi32, #tpu.memory_space<vmem>> -> memref<1x125xi32, #tpu.memory_space<vmem>>
            %dma_wait3A_69 = tpu.memref_squeeze %dma_wait3A_68 : memref<1x125xi32, #tpu.memory_space<vmem>> -> memref<125xi32, #tpu.memory_space<vmem>>
            %dma_wait3A_70 = arith.constant 0 : i32
            %dma_wait3A_71 = arith.constant 0 : i32
            %dma_wait3A_72 = tpu.memref_slice %arg9[%dma_wait3A_70, %dma_wait3A_71] : memref<10240x128xf32, #tpu.memory_space<vmem_shared>> -> memref<10240x128xf32, #tpu.memory_space<vmem_shared>>
            tpu.wait_indirect_dma semaphore(%run_scoped3A : memref<!tpu.dma_semaphore, #tpu.memory_space<semaphore_mem>>) src(%arg12 : memref<125x128xf32, #tpu.memory_space<vmem>>) dst(%dma_wait3A_72 : memref<10240x128xf32, #tpu.memory_space<vmem_shared>>)
            tpu.yield
          }) : () -> ()
          %dma_wait3A_53 = arith.constant 0 : i32
          %dma_wait3A_54 = tpu.memref_slice %arg10[%add3A_41, %dma_wait3A_53] : memref<16x125xi32, #tpu.memory_space<vmem>> -> memref<1x125xi32, #tpu.memory_space<vmem>>
          %dma_wait3A_55 = tpu.memref_squeeze %dma_wait3A_54 : memref<1x125xi32, #tpu.memory_space<vmem>> -> memref<125xi32, #tpu.memory_space<vmem>>
          %dma_wait3A_56 = arith.constant 0 : i32
          %dma_wait3A_57 = arith.constant 0 : i32
          %dma_wait3A_58 = tpu.memref_slice %arg2[%dma_wait3A_56, %dma_wait3A_57] : memref<10000x128xf32, #tpu.memory_space<hbm>> -> memref<10000x128xf32, #tpu.memory_space<hbm>>
          tpu.wait_indirect_dma semaphore(%arg15 : memref<!tpu.dma_semaphore, #tpu.memory_space<semaphore_mem>>) src(%dma_wait3A_58 : memref<10000x128xf32, #tpu.memory_space<hbm>>) dst(%arg13 : memref<125x128xf32, #tpu.memory_space<vmem>>)
          %add3A_59 = arith.constant 1 : i32
          %add3A_60 = arith.addi %mul3A_35, %add3A_59 : i32
          "tpu.region"() ({
            %run_scoped3A = tpu.sem_alloc : memref<!tpu.dma_semaphore, #tpu.memory_space<semaphore_mem>>
            %dma_start3A_61 = arith.constant 0 : i32
            %dma_start3A_62 = tpu.memref_slice %arg11[%add3A_60, %dma_start3A_61] : memref<16x125xi32, #tpu.memory_space<vmem>> -> memref<1x125xi32, #tpu.memory_space<vmem>>
            %dma_start3A_63 = tpu.memref_squeeze %dma_start3A_62 : memref<1x125xi32, #tpu.memory_space<vmem>> -> memref<125xi32, #tpu.memory_space<vmem>>
            %dma_start3A_64 = arith.constant 0 : i32
            %dma_start3A_65 = arith.constant 0 : i32
            %dma_start3A_66 = tpu.memref_slice %arg9[%dma_start3A_64, %dma_start3A_65] : memref<10240x128xf32, #tpu.memory_space<vmem_shared>> -> memref<10240x128xf32, #tpu.memory_space<vmem_shared>>
            tpu.enqueue_indirect_dma source(%arg13 : memref<125x128xf32, #tpu.memory_space<vmem>>) target(%dma_start3A_66 : memref<10240x128xf32, #tpu.memory_space<vmem_shared>>) offsets(%dma_start3A_63 : memref<125xi32, #tpu.memory_space<vmem>>) semaphore(%run_scoped3A : memref<!tpu.dma_semaphore, #tpu.memory_space<semaphore_mem>>) {add = true}
            %dma_wait3A_67 = arith.constant 0 : i32
            %dma_wait3A_68 = tpu.memref_slice %arg11[%add3A_60, %dma_wait3A_67] : memref<16x125xi32, #tpu.memory_space<vmem>> -> memref<1x125xi32, #tpu.memory_space<vmem>>
            %dma_wait3A_69 = tpu.memref_squeeze %dma_wait3A_68 : memref<1x125xi32, #tpu.memory_space<vmem>> -> memref<125xi32, #tpu.memory_space<vmem>>
            %dma_wait3A_70 = arith.constant 0 : i32
            %dma_wait3A_71 = arith.constant 0 : i32
            %dma_wait3A_72 = tpu.memref_slice %arg9[%dma_wait3A_70, %dma_wait3A_71] : memref<10240x128xf32, #tpu.memory_space<vmem_shared>> -> memref<10240x128xf32, #tpu.memory_space<vmem_shared>>
            tpu.wait_indirect_dma semaphore(%run_scoped3A : memref<!tpu.dma_semaphore, #tpu.memory_space<semaphore_mem>>) src(%arg13 : memref<125x128xf32, #tpu.memory_space<vmem>>) dst(%dma_wait3A_72 : memref<10240x128xf32, #tpu.memory_space<vmem_shared>>)
            tpu.yield
          }) : () -> ()
        }
        %scan3A_32 = arith.constant 8 : i32
      }
      %scan3A_22 = arith.constant 10 : i32
    } else {
    }
    %eq3A_3 = arith.constant 1 : i32
    %eq3A_4 = arith.cmpi eq, %arg0, %eq3A_3 : i32
    %convert_element_type3A_5 = arith.extui %eq3A_4 : i1 to i32
    %cond3A_6 = arith.constant 0 : i32
    %cond3A_7 = arith.cmpi ne, %convert_element_type3A_5, %cond3A_6 : i32
    scf.if %cond3A_7 {
      %scan3A = arith.constant 0 : i32
      %scan3A_19 = arith.constant 10 : i32
      %scan3A_20 = arith.addi %scan3A, %scan3A_19 : i32
      %scan3A_21 = arith.constant 1 : i32
      scf.for %scan3A_23 = %scan3A to %scan3A_20 step %scan3A_21  : i32 {
        %mul3A_24 = arith.constant 16 : i32
        %mul3A_25 = arith.muli %scan3A_23, %mul3A_24 : i32
        "tpu.region"() ({
          %run_scoped3A = tpu.sem_alloc : memref<!tpu.dma_semaphore, #tpu.memory_space<semaphore_mem>>
          %dma_start3A = arith.constant 0 : i32
          %dma_start3A_33 = tpu.memref_slice %arg4[%arg1, %mul3A_25, %dma_start3A] : memref<16x160x125xi32, #tpu.memory_space<hbm>> -> memref<1x16x125xi32, #tpu.memory_space<hbm>>
          %dma_start3A_34 = tpu.memref_squeeze %dma_start3A_33 : memref<1x16x125xi32, #tpu.memory_space<hbm>> -> memref<16x125xi32, #tpu.memory_space<hbm>>
          %dma_start3A_35 = arith.constant 0 : i32
          %dma_start3A_36 = tpu.memref_slice %arg4[%arg1, %mul3A_25, %dma_start3A_35] : memref<16x160x125xi32, #tpu.memory_space<hbm>> -> memref<1x16x125xi32, #tpu.memory_space<hbm>>
          %dma_start3A_37 = tpu.memref_squeeze %dma_start3A_36 : memref<1x16x125xi32, #tpu.memory_space<hbm>> -> memref<16x125xi32, #tpu.memory_space<hbm>>
          tpu.enqueue_dma source(%dma_start3A_37 : memref<16x125xi32, #tpu.memory_space<hbm>>) target(%arg10 : memref<16x125xi32, #tpu.memory_space<vmem>>) target_semaphore(%run_scoped3A : memref<!tpu.dma_semaphore, #tpu.memory_space<semaphore_mem>>)
          %dma_wait3A = arith.constant 0 : i32
          %dma_wait3A_38 = tpu.memref_slice %arg4[%arg1, %mul3A_25, %dma_wait3A] : memref<16x160x125xi32, #tpu.memory_space<hbm>> -> memref<1x16x125xi32, #tpu.memory_space<hbm>>
          %dma_wait3A_39 = tpu.memref_squeeze %dma_wait3A_38 : memref<1x16x125xi32, #tpu.memory_space<hbm>> -> memref<16x125xi32, #tpu.memory_space<hbm>>
          %dma_wait3A_40 = arith.constant 0 : i32
          %dma_wait3A_41 = tpu.memref_slice %arg4[%arg1, %mul3A_25, %dma_wait3A_40] : memref<16x160x125xi32, #tpu.memory_space<hbm>> -> memref<1x16x125xi32, #tpu.memory_space<hbm>>
          %dma_wait3A_42 = tpu.memref_squeeze %dma_wait3A_41 : memref<1x16x125xi32, #tpu.memory_space<hbm>> -> memref<16x125xi32, #tpu.memory_space<hbm>>
          tpu.wait_dma2 semaphore(%run_scoped3A : memref<!tpu.dma_semaphore, #tpu.memory_space<semaphore_mem>>) src(%dma_wait3A_42 : memref<16x125xi32, #tpu.memory_space<hbm>>) dst(%arg10 : memref<16x125xi32, #tpu.memory_space<vmem>>)
          tpu.yield
        }) : () -> ()
        %mul3A_26 = arith.constant 16 : i32
        %mul3A_27 = arith.muli %scan3A_23, %mul3A_26 : i32
        "tpu.region"() ({
          %run_scoped3A = tpu.sem_alloc : memref<!tpu.dma_semaphore, #tpu.memory_space<semaphore_mem>>
          %dma_start3A = arith.constant 0 : i32
          %dma_start3A_33 = tpu.memref_slice %arg5[%arg1, %mul3A_27, %dma_start3A] : memref<16x160x125xi32, #tpu.memory_space<hbm>> -> memref<1x16x125xi32, #tpu.memory_space<hbm>>
          %dma_start3A_34 = tpu.memref_squeeze %dma_start3A_33 : memref<1x16x125xi32, #tpu.memory_space<hbm>> -> memref<16x125xi32, #tpu.memory_space<hbm>>
          %dma_start3A_35 = arith.constant 0 : i32
          %dma_start3A_36 = tpu.memref_slice %arg5[%arg1, %mul3A_27, %dma_start3A_35] : memref<16x160x125xi32, #tpu.memory_space<hbm>> -> memref<1x16x125xi32, #tpu.memory_space<hbm>>
          %dma_start3A_37 = tpu.memref_squeeze %dma_start3A_36 : memref<1x16x125xi32, #tpu.memory_space<hbm>> -> memref<16x125xi32, #tpu.memory_space<hbm>>
          tpu.enqueue_dma source(%dma_start3A_37 : memref<16x125xi32, #tpu.memory_space<hbm>>) target(%arg11 : memref<16x125xi32, #tpu.memory_space<vmem>>) target_semaphore(%run_scoped3A : memref<!tpu.dma_semaphore, #tpu.memory_space<semaphore_mem>>)
          %dma_wait3A = arith.constant 0 : i32
          %dma_wait3A_38 = tpu.memref_slice %arg5[%arg1, %mul3A_27, %dma_wait3A] : memref<16x160x125xi32, #tpu.memory_space<hbm>> -> memref<1x16x125xi32, #tpu.memory_space<hbm>>
          %dma_wait3A_39 = tpu.memref_squeeze %dma_wait3A_38 : memref<1x16x125xi32, #tpu.memory_space<hbm>> -> memref<16x125xi32, #tpu.memory_space<hbm>>
          %dma_wait3A_40 = arith.constant 0 : i32
          %dma_wait3A_41 = tpu.memref_slice %arg5[%arg1, %mul3A_27, %dma_wait3A_40] : memref<16x160x125xi32, #tpu.memory_space<hbm>> -> memref<1x16x125xi32, #tpu.memory_space<hbm>>
          %dma_wait3A_42 = tpu.memref_squeeze %dma_wait3A_41 : memref<1x16x125xi32, #tpu.memory_space<hbm>> -> memref<16x125xi32, #tpu.memory_space<hbm>>
          tpu.wait_dma2 semaphore(%run_scoped3A : memref<!tpu.dma_semaphore, #tpu.memory_space<semaphore_mem>>) src(%dma_wait3A_42 : memref<16x125xi32, #tpu.memory_space<hbm>>) dst(%arg11 : memref<16x125xi32, #tpu.memory_space<vmem>>)
          tpu.yield
        }) : () -> ()
        %scan3A_28 = arith.constant 0 : i32
        %scan3A_29 = arith.constant 8 : i32
        %scan3A_30 = arith.addi %scan3A_28, %scan3A_29 : i32
        %scan3A_31 = arith.constant 1 : i32
        scf.for %scan3A_33 = %scan3A_28 to %scan3A_30 step %scan3A_31  : i32 {
          %mul3A_34 = arith.constant 2 : i32
          %mul3A_35 = arith.muli %scan3A_33, %mul3A_34 : i32
          %dma_start3A = arith.constant 0 : i32
          %dma_start3A_36 = tpu.memref_slice %arg10[%mul3A_35, %dma_start3A] : memref<16x125xi32, #tpu.memory_space<vmem>> -> memref<1x125xi32, #tpu.memory_space<vmem>>
          %dma_start3A_37 = tpu.memref_squeeze %dma_start3A_36 : memref<1x125xi32, #tpu.memory_space<vmem>> -> memref<125xi32, #tpu.memory_space<vmem>>
          %dma_start3A_38 = arith.constant 0 : i32
          %dma_start3A_39 = arith.constant 0 : i32
          %dma_start3A_40 = tpu.memref_slice %arg3[%dma_start3A_38, %dma_start3A_39] : memref<10000x128xf32, #tpu.memory_space<hbm>> -> memref<10000x128xf32, #tpu.memory_space<hbm>>
          tpu.enqueue_indirect_dma source(%dma_start3A_40 : memref<10000x128xf32, #tpu.memory_space<hbm>>) target(%arg12 : memref<125x128xf32, #tpu.memory_space<vmem>>) offsets(%dma_start3A_37 : memref<125xi32, #tpu.memory_space<vmem>>) semaphore(%arg14 : memref<!tpu.dma_semaphore, #tpu.memory_space<semaphore_mem>>)
          %add3A = arith.constant 1 : i32
          %add3A_41 = arith.addi %mul3A_35, %add3A : i32
          %dma_start3A_42 = arith.constant 0 : i32
          %dma_start3A_43 = tpu.memref_slice %arg10[%add3A_41, %dma_start3A_42] : memref<16x125xi32, #tpu.memory_space<vmem>> -> memref<1x125xi32, #tpu.memory_space<vmem>>
          %dma_start3A_44 = tpu.memref_squeeze %dma_start3A_43 : memref<1x125xi32, #tpu.memory_space<vmem>> -> memref<125xi32, #tpu.memory_space<vmem>>
          %dma_start3A_45 = arith.constant 0 : i32
          %dma_start3A_46 = arith.constant 0 : i32
          %dma_start3A_47 = tpu.memref_slice %arg3[%dma_start3A_45, %dma_start3A_46] : memref<10000x128xf32, #tpu.memory_space<hbm>> -> memref<10000x128xf32, #tpu.memory_space<hbm>>
          tpu.enqueue_indirect_dma source(%dma_start3A_47 : memref<10000x128xf32, #tpu.memory_space<hbm>>) target(%arg13 : memref<125x128xf32, #tpu.memory_space<vmem>>) offsets(%dma_start3A_44 : memref<125xi32, #tpu.memory_space<vmem>>) semaphore(%arg15 : memref<!tpu.dma_semaphore, #tpu.memory_space<semaphore_mem>>)
          %dma_wait3A = arith.constant 0 : i32
          %dma_wait3A_48 = tpu.memref_slice %arg10[%mul3A_35, %dma_wait3A] : memref<16x125xi32, #tpu.memory_space<vmem>> -> memref<1x125xi32, #tpu.memory_space<vmem>>
          %dma_wait3A_49 = tpu.memref_squeeze %dma_wait3A_48 : memref<1x125xi32, #tpu.memory_space<vmem>> -> memref<125xi32, #tpu.memory_space<vmem>>
          %dma_wait3A_50 = arith.constant 0 : i32
          %dma_wait3A_51 = arith.constant 0 : i32
          %dma_wait3A_52 = tpu.memref_slice %arg3[%dma_wait3A_50, %dma_wait3A_51] : memref<10000x128xf32, #tpu.memory_space<hbm>> -> memref<10000x128xf32, #tpu.memory_space<hbm>>
          tpu.wait_indirect_dma semaphore(%arg14 : memref<!tpu.dma_semaphore, #tpu.memory_space<semaphore_mem>>) src(%dma_wait3A_52 : memref<10000x128xf32, #tpu.memory_space<hbm>>) dst(%arg12 : memref<125x128xf32, #tpu.memory_space<vmem>>)
          "tpu.region"() ({
            %run_scoped3A = tpu.sem_alloc : memref<!tpu.dma_semaphore, #tpu.memory_space<semaphore_mem>>
            %dma_start3A_61 = arith.constant 0 : i32
            %dma_start3A_62 = tpu.memref_slice %arg11[%mul3A_35, %dma_start3A_61] : memref<16x125xi32, #tpu.memory_space<vmem>> -> memref<1x125xi32, #tpu.memory_space<vmem>>
            %dma_start3A_63 = tpu.memref_squeeze %dma_start3A_62 : memref<1x125xi32, #tpu.memory_space<vmem>> -> memref<125xi32, #tpu.memory_space<vmem>>
            %dma_start3A_64 = arith.constant 0 : i32
            %dma_start3A_65 = arith.constant 0 : i32
            %dma_start3A_66 = tpu.memref_slice %arg9[%dma_start3A_64, %dma_start3A_65] : memref<10240x128xf32, #tpu.memory_space<vmem_shared>> -> memref<10240x128xf32, #tpu.memory_space<vmem_shared>>
            tpu.enqueue_indirect_dma source(%arg12 : memref<125x128xf32, #tpu.memory_space<vmem>>) target(%dma_start3A_66 : memref<10240x128xf32, #tpu.memory_space<vmem_shared>>) offsets(%dma_start3A_63 : memref<125xi32, #tpu.memory_space<vmem>>) semaphore(%run_scoped3A : memref<!tpu.dma_semaphore, #tpu.memory_space<semaphore_mem>>) {add = true}
            %dma_wait3A_67 = arith.constant 0 : i32
            %dma_wait3A_68 = tpu.memref_slice %arg11[%mul3A_35, %dma_wait3A_67] : memref<16x125xi32, #tpu.memory_space<vmem>> -> memref<1x125xi32, #tpu.memory_space<vmem>>
            %dma_wait3A_69 = tpu.memref_squeeze %dma_wait3A_68 : memref<1x125xi32, #tpu.memory_space<vmem>> -> memref<125xi32, #tpu.memory_space<vmem>>
            %dma_wait3A_70 = arith.constant 0 : i32
            %dma_wait3A_71 = arith.constant 0 : i32
            %dma_wait3A_72 = tpu.memref_slice %arg9[%dma_wait3A_70, %dma_wait3A_71] : memref<10240x128xf32, #tpu.memory_space<vmem_shared>> -> memref<10240x128xf32, #tpu.memory_space<vmem_shared>>
            tpu.wait_indirect_dma semaphore(%run_scoped3A : memref<!tpu.dma_semaphore, #tpu.memory_space<semaphore_mem>>) src(%arg12 : memref<125x128xf32, #tpu.memory_space<vmem>>) dst(%dma_wait3A_72 : memref<10240x128xf32, #tpu.memory_space<vmem_shared>>)
            tpu.yield
          }) : () -> ()
          %dma_wait3A_53 = arith.constant 0 : i32
          %dma_wait3A_54 = tpu.memref_slice %arg10[%add3A_41, %dma_wait3A_53] : memref<16x125xi32, #tpu.memory_space<vmem>> -> memref<1x125xi32, #tpu.memory_space<vmem>>
          %dma_wait3A_55 = tpu.memref_squeeze %dma_wait3A_54 : memref<1x125xi32, #tpu.memory_space<vmem>> -> memref<125xi32, #tpu.memory_space<vmem>>
          %dma_wait3A_56 = arith.constant 0 : i32
          %dma_wait3A_57 = arith.constant 0 : i32
          %dma_wait3A_58 = tpu.memref_slice %arg3[%dma_wait3A_56, %dma_wait3A_57] : memref<10000x128xf32, #tpu.memory_space<hbm>> -> memref<10000x128xf32, #tpu.memory_space<hbm>>
          tpu.wait_indirect_dma semaphore(%arg15 : memref<!tpu.dma_semaphore, #tpu.memory_space<semaphore_mem>>) src(%dma_wait3A_58 : memref<10000x128xf32, #tpu.memory_space<hbm>>) dst(%arg13 : memref<125x128xf32, #tpu.memory_space<vmem>>)
          %add3A_59 = arith.constant 1 : i32
          %add3A_60 = arith.addi %mul3A_35, %add3A_59 : i32
          "tpu.region"() ({
            %run_scoped3A = tpu.sem_alloc : memref<!tpu.dma_semaphore, #tpu.memory_space<semaphore_mem>>
            %dma_start3A_61 = arith.constant 0 : i32
            %dma_start3A_62 = tpu.memref_slice %arg11[%add3A_60, %dma_start3A_61] : memref<16x125xi32, #tpu.memory_space<vmem>> -> memref<1x125xi32, #tpu.memory_space<vmem>>
            %dma_start3A_63 = tpu.memref_squeeze %dma_start3A_62 : memref<1x125xi32, #tpu.memory_space<vmem>> -> memref<125xi32, #tpu.memory_space<vmem>>
            %dma_start3A_64 = arith.constant 0 : i32
            %dma_start3A_65 = arith.constant 0 : i32
            %dma_start3A_66 = tpu.memref_slice %arg9[%dma_start3A_64, %dma_start3A_65] : memref<10240x128xf32, #tpu.memory_space<vmem_shared>> -> memref<10240x128xf32, #tpu.memory_space<vmem_shared>>
            tpu.enqueue_indirect_dma source(%arg13 : memref<125x128xf32, #tpu.memory_space<vmem>>) target(%dma_start3A_66 : memref<10240x128xf32, #tpu.memory_space<vmem_shared>>) offsets(%dma_start3A_63 : memref<125xi32, #tpu.memory_space<vmem>>) semaphore(%run_scoped3A : memref<!tpu.dma_semaphore, #tpu.memory_space<semaphore_mem>>) {add = true}
            %dma_wait3A_67 = arith.constant 0 : i32
            %dma_wait3A_68 = tpu.memref_slice %arg11[%add3A_60, %dma_wait3A_67] : memref<16x125xi32, #tpu.memory_space<vmem>> -> memref<1x125xi32, #tpu.memory_space<vmem>>
            %dma_wait3A_69 = tpu.memref_squeeze %dma_wait3A_68 : memref<1x125xi32, #tpu.memory_space<vmem>> -> memref<125xi32, #tpu.memory_space<vmem>>
            %dma_wait3A_70 = arith.constant 0 : i32
            %dma_wait3A_71 = arith.constant 0 : i32
            %dma_wait3A_72 = tpu.memref_slice %arg9[%dma_wait3A_70, %dma_wait3A_71] : memref<10240x128xf32, #tpu.memory_space<vmem_shared>> -> memref<10240x128xf32, #tpu.memory_space<vmem_shared>>
            tpu.wait_indirect_dma semaphore(%run_scoped3A : memref<!tpu.dma_semaphore, #tpu.memory_space<semaphore_mem>>) src(%arg13 : memref<125x128xf32, #tpu.memory_space<vmem>>) dst(%dma_wait3A_72 : memref<10240x128xf32, #tpu.memory_space<vmem_shared>>)
            tpu.yield
          }) : () -> ()
        }
        %scan3A_32 = arith.constant 8 : i32
      }
      %scan3A_22 = arith.constant 10 : i32
    } else {
    }
    %barrier3A_8 = arith.constant 0 : index
    tpu.barrier barrier_id(%barrier3A_8)
    %eq3A_9 = arith.constant 0 : i32
    %eq3A_10 = arith.cmpi eq, %arg0, %eq3A_9 : i32
    %convert_element_type3A_11 = arith.extui %eq3A_10 : i1 to i32
    %cond3A_12 = arith.constant 0 : i32
    %cond3A_13 = arith.cmpi ne, %convert_element_type3A_11, %cond3A_12 : i32
    scf.if %cond3A_13 {
      "tpu.region"() ({
        %run_scoped3A = tpu.sem_alloc : memref<!tpu.dma_semaphore, #tpu.memory_space<semaphore_mem>>
        %dma_start3A = arith.constant 0 : i32
        %dma_start3A_19 = tpu.memref_slice %arg7[%mul3A_0, %dma_start3A] : memref<10240x128xf32, #tpu.memory_space<hbm>> -> memref<640x128xf32, #tpu.memory_space<hbm>>
        %dma_start3A_20 = arith.constant 0 : i32
        %dma_start3A_21 = tpu.memref_slice %arg9[%mul3A_0, %dma_start3A_20] : memref<10240x128xf32, #tpu.memory_space<vmem_shared>> -> memref<640x128xf32, #tpu.memory_space<vmem_shared>>
        tpu.enqueue_dma source(%dma_start3A_21 : memref<640x128xf32, #tpu.memory_space<vmem_shared>>) target(%dma_start3A_19 : memref<640x128xf32, #tpu.memory_space<hbm>>) target_semaphore(%run_scoped3A : memref<!tpu.dma_semaphore, #tpu.memory_space<semaphore_mem>>)
        %dma_wait3A = arith.constant 0 : i32
        %dma_wait3A_22 = tpu.memref_slice %arg7[%mul3A_0, %dma_wait3A] : memref<10240x128xf32, #tpu.memory_space<hbm>> -> memref<640x128xf32, #tpu.memory_space<hbm>>
        %dma_wait3A_23 = arith.constant 0 : i32
        %dma_wait3A_24 = tpu.memref_slice %arg9[%mul3A_0, %dma_wait3A_23] : memref<10240x128xf32, #tpu.memory_space<vmem_shared>> -> memref<640x128xf32, #tpu.memory_space<vmem_shared>>
        tpu.wait_dma2 semaphore(%run_scoped3A : memref<!tpu.dma_semaphore, #tpu.memory_space<semaphore_mem>>) src(%dma_wait3A_24 : memref<640x128xf32, #tpu.memory_space<vmem_shared>>) dst(%dma_wait3A_22 : memref<640x128xf32, #tpu.memory_space<hbm>>)
        tpu.yield
      }) : () -> ()
    } else {
    }
    %eq3A_14 = arith.constant 1 : i32
    %eq3A_15 = arith.cmpi eq, %arg0, %eq3A_14 : i32
    %convert_element_type3A_16 = arith.extui %eq3A_15 : i1 to i32
    %cond3A_17 = arith.constant 0 : i32
    %cond3A_18 = arith.cmpi ne, %convert_element_type3A_16, %cond3A_17 : i32
    scf.if %cond3A_18 {
      "tpu.region"() ({
        %run_scoped3A = tpu.sem_alloc : memref<!tpu.dma_semaphore, #tpu.memory_space<semaphore_mem>>
        %dma_start3A = arith.constant 0 : i32
        %dma_start3A_19 = tpu.memref_slice %arg8[%mul3A_0, %dma_start3A] : memref<10240x128xf32, #tpu.memory_space<hbm>> -> memref<640x128xf32, #tpu.memory_space<hbm>>
        %dma_start3A_20 = arith.constant 0 : i32
        %dma_start3A_21 = tpu.memref_slice %arg9[%mul3A_0, %dma_start3A_20] : memref<10240x128xf32, #tpu.memory_space<vmem_shared>> -> memref<640x128xf32, #tpu.memory_space<vmem_shared>>
        tpu.enqueue_dma source(%dma_start3A_21 : memref<640x128xf32, #tpu.memory_space<vmem_shared>>) target(%dma_start3A_19 : memref<640x128xf32, #tpu.memory_space<hbm>>) target_semaphore(%run_scoped3A : memref<!tpu.dma_semaphore, #tpu.memory_space<semaphore_mem>>)
        %dma_wait3A = arith.constant 0 : i32
        %dma_wait3A_22 = tpu.memref_slice %arg8[%mul3A_0, %dma_wait3A] : memref<10240x128xf32, #tpu.memory_space<hbm>> -> memref<640x128xf32, #tpu.memory_space<hbm>>
        %dma_wait3A_23 = arith.constant 0 : i32
        %dma_wait3A_24 = tpu.memref_slice %arg9[%mul3A_0, %dma_wait3A_23] : memref<10240x128xf32, #tpu.memory_space<vmem_shared>> -> memref<640x128xf32, #tpu.memory_space<vmem_shared>>
        tpu.wait_dma2 semaphore(%run_scoped3A : memref<!tpu.dma_semaphore, #tpu.memory_space<semaphore_mem>>) src(%dma_wait3A_24 : memref<640x128xf32, #tpu.memory_space<vmem_shared>>) dst(%dma_wait3A_22 : memref<640x128xf32, #tpu.memory_space<hbm>>)
        tpu.yield
      }) : () -> ()
    } else {
    }
    return
  }
}

module attributes {stable_mosaic.version = 14 : i64} {
  func.func @_gates_body(%arg0: i32, %arg1: memref<1000x128xf32, #tpu.memory_space<vmem>>, %arg2: memref<1000x128xf32, #tpu.memory_space<vmem>>, %arg3: memref<1000x128xf32, #tpu.memory_space<vmem>>, %arg4: memref<1000x128xf32, #tpu.memory_space<vmem>>, %arg5: memref<128x384xf32, #tpu.memory_space<vmem>>, %arg6: memref<128x384xf32, #tpu.memory_space<vmem>>, %arg7: memref<1x384xf32, #tpu.memory_space<vmem>>, %arg8: memref<128x128xf32, #tpu.memory_space<vmem>>, %arg9: memref<1x128xf32, #tpu.memory_space<vmem>>, %arg10: memref<128x128xf32, #tpu.memory_space<vmem>>, %arg11: memref<1x128xf32, #tpu.memory_space<vmem>>, %arg12: memref<1000x128xf32, #tpu.memory_space<vmem>>, %arg13: memref<1000x128xf32, #tpu.memory_space<vmem>>) attributes {dimension_semantics = [#tpu.dimension_semantics<arbitrary>], iteration_bounds = array<i64: 10>, scalar_prefetch = 0 : i64, scratch_operands = 0 : i64, tpu.core_type = #tpu.core_type<tc>, window_params = [{transform_indices = @transform_0, window_bounds = array<i64: 1000, 128>}, {transform_indices = @transform_1, window_bounds = array<i64: 1000, 128>}, {transform_indices = @transform_2, window_bounds = array<i64: 1000, 128>}, {transform_indices = @transform_3, window_bounds = array<i64: 1000, 128>}, {pipeline_mode = #tpu.pipeline_mode<synchronous>, transform_indices = @transform_4, window_bounds = array<i64: 128, 384>}, {pipeline_mode = #tpu.pipeline_mode<synchronous>, transform_indices = @transform_5, window_bounds = array<i64: 128, 384>}, {pipeline_mode = #tpu.pipeline_mode<synchronous>, transform_indices = @transform_6, window_bounds = array<i64: 1, 384>}, {pipeline_mode = #tpu.pipeline_mode<synchronous>, transform_indices = @transform_7, window_bounds = array<i64: 128, 128>}, {pipeline_mode = #tpu.pipeline_mode<synchronous>, transform_indices = @transform_8, window_bounds = array<i64: 1, 128>}, {pipeline_mode = #tpu.pipeline_mode<synchronous>, transform_indices = @transform_9, window_bounds = array<i64: 128, 128>}, {pipeline_mode = #tpu.pipeline_mode<synchronous>, transform_indices = @transform_10, window_bounds = array<i64: 1, 128>}, {transform_indices = @transform_11, window_bounds = array<i64: 1000, 128>}, {transform_indices = @transform_12, window_bounds = array<i64: 1000, 128>}]} {
    %get3A = arith.constant 0 : index
    %get3A_0 = arith.constant 0 : index
    %get3A_1 = vector.load %arg1[%get3A, %get3A_0] : memref<1000x128xf32, #tpu.memory_space<vmem>>, vector<1000x128xf32>
    %get3A_2 = arith.constant 0 : index
    %get3A_3 = arith.constant 0 : index
    %get3A_4 = vector.load %arg2[%get3A_2, %get3A_3] : memref<1000x128xf32, #tpu.memory_space<vmem>>, vector<1000x128xf32>
    %get3A_5 = arith.constant 0 : index
    %get3A_6 = arith.constant 0 : index
    %get3A_7 = vector.load %arg10[%get3A_5, %get3A_6] : memref<128x128xf32, #tpu.memory_space<vmem>>, vector<128x128xf32>
    %dot_general3A = arith.constant dense<0.000000e+00> : vector<1000x128xf32>
    %dot_general3A_8 = tpu.matmul %get3A_1, %get3A_7, %dot_general3A {dimension_numbers = #tpu.dot_dimension_numbers<[1], [0], [0], [1], [0, 0, 1, 1], [], []>, transpose_lhs_hint = false} : vector<1000x128xf32>, vector<128x128xf32>, vector<1000x128xf32> -> vector<1000x128xf32>
    %get3A_9 = arith.constant 0 : index
    %get3A_10 = arith.constant 0 : index
    %get3A_11 = vector.load %arg8[%get3A_9, %get3A_10] : memref<128x128xf32, #tpu.memory_space<vmem>>, vector<128x128xf32>
    %dot_general3A_12 = arith.constant dense<0.000000e+00> : vector<1000x128xf32>
    %dot_general3A_13 = tpu.matmul %get3A_4, %get3A_11, %dot_general3A_12 {dimension_numbers = #tpu.dot_dimension_numbers<[1], [0], [0], [1], [0, 0, 1, 1], [], []>, transpose_lhs_hint = false} : vector<1000x128xf32>, vector<128x128xf32>, vector<1000x128xf32> -> vector<1000x128xf32>
    %add3A = arith.addf %dot_general3A_8, %dot_general3A_13 : vector<1000x128xf32>
    %get3A_14 = arith.constant 0 : index
    %get3A_15 = arith.constant 0 : index
    %get3A_16 = vector.load %arg9[%get3A_14, %get3A_15] : memref<1x128xf32, #tpu.memory_space<vmem>>, vector<1x128xf32>
    %add3A_17 = vector.broadcast %get3A_16 : vector<1x128xf32> to vector<1000x128xf32>
    %add3A_18 = arith.addf %add3A, %add3A_17 : vector<1000x128xf32>
    %get3A_19 = arith.constant 0 : index
    %get3A_20 = arith.constant 0 : index
    %get3A_21 = vector.load %arg11[%get3A_19, %get3A_20] : memref<1x128xf32, #tpu.memory_space<vmem>>, vector<1x128xf32>
    %add3A_22 = vector.broadcast %get3A_21 : vector<1x128xf32> to vector<1000x128xf32>
    %add3A_23 = arith.addf %add3A_18, %add3A_22 : vector<1000x128xf32>
    %logistic3A = arith.negf %add3A_23 : vector<1000x128xf32>
    %logistic3A_24 = math.exp %logistic3A : vector<1000x128xf32>
    %logistic3A_25 = arith.constant 1.000000e+00 : f32
    %logistic3A_26 = vector.broadcast %logistic3A_25 : f32 to vector<1000x128xf32>
    %logistic3A_27 = arith.addf %logistic3A_26, %logistic3A_24 : vector<1000x128xf32>
    %logistic3A_28 = arith.divf %logistic3A_26, %logistic3A_27 : vector<1000x128xf32>
    %get3A_29 = arith.constant 0 : index
    %get3A_30 = arith.constant 0 : index
    %get3A_31 = vector.load %arg5[%get3A_29, %get3A_30] : memref<128x384xf32, #tpu.memory_space<vmem>>, vector<128x384xf32>
    %dot_general3A_32 = arith.constant dense<0.000000e+00> : vector<1000x384xf32>
    %dot_general3A_33 = tpu.matmul %get3A_1, %get3A_31, %dot_general3A_32 {dimension_numbers = #tpu.dot_dimension_numbers<[1], [0], [0], [1], [0, 0, 1, 1], [], []>, transpose_lhs_hint = false} : vector<1000x128xf32>, vector<128x384xf32>, vector<1000x384xf32> -> vector<1000x384xf32>
    %get3A_34 = arith.constant 0 : index
    %get3A_35 = arith.constant 0 : index
    %get3A_36 = vector.load %arg3[%get3A_34, %get3A_35] : memref<1000x128xf32, #tpu.memory_space<vmem>>, vector<1000x128xf32>
    %get3A_37 = arith.constant 0 : index
    %get3A_38 = arith.constant 0 : index
    %get3A_39 = vector.load %arg6[%get3A_37, %get3A_38] : memref<128x384xf32, #tpu.memory_space<vmem>>, vector<128x384xf32>
    %dot_general3A_40 = arith.constant dense<0.000000e+00> : vector<1000x384xf32>
    %dot_general3A_41 = tpu.matmul %get3A_36, %get3A_39, %dot_general3A_40 {dimension_numbers = #tpu.dot_dimension_numbers<[1], [0], [0], [1], [0, 0, 1, 1], [], []>, transpose_lhs_hint = false} : vector<1000x128xf32>, vector<128x384xf32>, vector<1000x384xf32> -> vector<1000x384xf32>
    %add3A_42 = arith.addf %dot_general3A_33, %dot_general3A_41 : vector<1000x384xf32>
    %get3A_43 = arith.constant 0 : index
    %get3A_44 = arith.constant 0 : index
    %get3A_45 = vector.load %arg7[%get3A_43, %get3A_44] : memref<1x384xf32, #tpu.memory_space<vmem>>, vector<1x384xf32>
    %add3A_46 = vector.broadcast %get3A_45 : vector<1x384xf32> to vector<1000x384xf32>
    %add3A_47 = arith.addf %add3A_42, %add3A_46 : vector<1000x384xf32>
    %slice3A = vector.extract_strided_slice %add3A_47 {offsets = [0, 0], sizes = [1000, 128], strides = [1, 1]} : vector<1000x384xf32> to vector<1000x128xf32>
    %logistic3A_48 = arith.negf %slice3A : vector<1000x128xf32>
    %logistic3A_49 = math.exp %logistic3A_48 : vector<1000x128xf32>
    %logistic3A_50 = arith.constant 1.000000e+00 : f32
    %logistic3A_51 = vector.broadcast %logistic3A_50 : f32 to vector<1000x128xf32>
    %logistic3A_52 = arith.addf %logistic3A_51, %logistic3A_49 : vector<1000x128xf32>
    %logistic3A_53 = arith.divf %logistic3A_51, %logistic3A_52 : vector<1000x128xf32>
    %slice3A_54 = vector.extract_strided_slice %add3A_47 {offsets = [0, 128], sizes = [1000, 128], strides = [1, 1]} : vector<1000x384xf32> to vector<1000x128xf32>
    %logistic3A_55 = arith.negf %slice3A_54 : vector<1000x128xf32>
    %logistic3A_56 = math.exp %logistic3A_55 : vector<1000x128xf32>
    %logistic3A_57 = arith.constant 1.000000e+00 : f32
    %logistic3A_58 = vector.broadcast %logistic3A_57 : f32 to vector<1000x128xf32>
    %logistic3A_59 = arith.addf %logistic3A_58, %logistic3A_56 : vector<1000x128xf32>
    %logistic3A_60 = arith.divf %logistic3A_58, %logistic3A_59 : vector<1000x128xf32>
    %slice3A_61 = vector.extract_strided_slice %add3A_47 {offsets = [0, 256], sizes = [1000, 128], strides = [1, 1]} : vector<1000x384xf32> to vector<1000x128xf32>
    %tanh3A = math.tanh %slice3A_61 : vector<1000x128xf32>
    %mul3A = arith.mulf %logistic3A_53, %tanh3A : vector<1000x128xf32>
    %get3A_62 = arith.constant 0 : index
    %get3A_63 = arith.constant 0 : index
    %get3A_64 = vector.load %arg4[%get3A_62, %get3A_63] : memref<1000x128xf32, #tpu.memory_space<vmem>>, vector<1000x128xf32>
    %mul3A_65 = arith.mulf %logistic3A_28, %get3A_64 : vector<1000x128xf32>
    %add3A_66 = arith.addf %mul3A, %mul3A_65 : vector<1000x128xf32>
    %swap3A = arith.constant 0 : index
    %swap3A_67 = arith.constant 0 : index
    %swap3A_68 = vector.load %arg13[%swap3A, %swap3A_67] : memref<1000x128xf32, #tpu.memory_space<vmem>>, vector<1000x128xf32>
    tpu.vector_store %arg13[%swap3A, %swap3A_67], %add3A_66 {strides = array<i32>} : memref<1000x128xf32, #tpu.memory_space<vmem>>, vector<1000x128xf32>,
    %tanh3A_69 = math.tanh %add3A_66 : vector<1000x128xf32>
    %mul3A_70 = arith.mulf %logistic3A_60, %tanh3A_69 : vector<1000x128xf32>
    %swap3A_71 = arith.constant 0 : index
    %swap3A_72 = arith.constant 0 : index
    %swap3A_73 = vector.load %arg12[%swap3A_71, %swap3A_72] : memref<1000x128xf32, #tpu.memory_space<vmem>>, vector<1000x128xf32>
    tpu.vector_store %arg12[%swap3A_71, %swap3A_72], %mul3A_70 {strides = array<i32>} : memref<1000x128xf32, #tpu.memory_space<vmem>>, vector<1000x128xf32>,
    return
  }
  func.func @transform_0(%arg0: i32) -> (i32, i32) {
    %c0_i32 = arith.constant 0 : i32
    %c0_i32_0 = arith.constant 0 : i32
    return %arg0, %c0_i32 : i32, i32
  }
  func.func @transform_1(%arg0: i32) -> (i32, i32) {
    %c0_i32 = arith.constant 0 : i32
    %c0_i32_0 = arith.constant 0 : i32
    return %arg0, %c0_i32 : i32, i32
  }
  func.func @transform_2(%arg0: i32) -> (i32, i32) {
    %c0_i32 = arith.constant 0 : i32
    %c0_i32_0 = arith.constant 0 : i32
    return %arg0, %c0_i32 : i32, i32
  }
  func.func @transform_3(%arg0: i32) -> (i32, i32) {
    %c0_i32 = arith.constant 0 : i32
    %c0_i32_0 = arith.constant 0 : i32
    return %arg0, %c0_i32 : i32, i32
  }
  func.func @transform_4(%arg0: i32) -> (i32, i32) {
    %c0_i32 = arith.constant 0 : i32
    %c0_i32_0 = arith.constant 0 : i32
    %c0_i32_1 = arith.constant 0 : i32
    return %c0_i32, %c0_i32_0 : i32, i32
  }
  func.func @transform_5(%arg0: i32) -> (i32, i32) {
    %c0_i32 = arith.constant 0 : i32
    %c0_i32_0 = arith.constant 0 : i32
    %c0_i32_1 = arith.constant 0 : i32
    return %c0_i32, %c0_i32_0 : i32, i32
  }
  func.func @transform_6(%arg0: i32) -> (i32, i32) {
    %c0_i32 = arith.constant 0 : i32
    %c0_i32_0 = arith.constant 0 : i32
    %c0_i32_1 = arith.constant 0 : i32
    return %c0_i32, %c0_i32_0 : i32, i32
  }
  func.func @transform_7(%arg0: i32) -> (i32, i32) {
    %c0_i32 = arith.constant 0 : i32
    %c0_i32_0 = arith.constant 0 : i32
    %c0_i32_1 = arith.constant 0 : i32
    return %c0_i32, %c0_i32_0 : i32, i32
  }
  func.func @transform_8(%arg0: i32) -> (i32, i32) {
    %c0_i32 = arith.constant 0 : i32
    %c0_i32_0 = arith.constant 0 : i32
    %c0_i32_1 = arith.constant 0 : i32
    return %c0_i32, %c0_i32_0 : i32, i32
  }
  func.func @transform_9(%arg0: i32) -> (i32, i32) {
    %c0_i32 = arith.constant 0 : i32
    %c0_i32_0 = arith.constant 0 : i32
    %c0_i32_1 = arith.constant 0 : i32
    return %c0_i32, %c0_i32_0 : i32, i32
  }
  func.func @transform_10(%arg0: i32) -> (i32, i32) {
    %c0_i32 = arith.constant 0 : i32
    %c0_i32_0 = arith.constant 0 : i32
    %c0_i32_1 = arith.constant 0 : i32
    return %c0_i32, %c0_i32_0 : i32, i32
  }
  func.func @transform_11(%arg0: i32) -> (i32, i32) {
    %c0_i32 = arith.constant 0 : i32
    %c0_i32_0 = arith.constant 0 : i32
    return %arg0, %c0_i32 : i32, i32
  }
  func.func @transform_12(%arg0: i32) -> (i32, i32) {
    %c0_i32 = arith.constant 0 : i32
    %c0_i32_0 = arith.constant 0 : i32
    return %arg0, %c0_i32 : i32, i32
  }
}

</mosaic_0001>

<sc_bundles>
// kernel: kernel.4.cloned.1.call-start
scs
__scs_entry_jumppad:
0x0: {  	(pc) =	sbr.rel $0x88, $3  }
0x1: {  	(tag) =	ssettag $0x0;
	lr =	simm.s32 $0x1  }
0x2: {  	[smem:$0x3F96] =	sst lr;
	_ =	strace $0xD0000000  }
0x3: {  	_ = 	snop  }
0x4: {  	_ = 	snop  }
0x5: {  	_ = 	snop  }
0x6: {  	_ = 	snop  }
0x7: {  	_ = 	snop  }
__scs_overlays_trampoline_lowered:
0x8: {  	[smem:$0x3FA5] =	sst s0  }
0x9: {  	[smem:$0x3FA6] =	sst s1  }
0xa: {  	[smem:$0x3FA7] =	sst s2  }
0xb: {  	[smem:$0x3FA8] =	sst s3  }
0xc: {  	[smem:$0x3FA9] =	sst s4  }
0xd: {  	[smem:$0x3FAA] =	sst s5  }
0xe: {  	[smem:$0x3FAB] =	sst s6  }
0xf: {  	[smem:$0x3FAC] =	sst s7  }
0x10: {  	[smem:$0x3FAD] =	sst s8  }
0x11: {  	[smem:$0x3FAE] =	sst s9;
	s0 =	simm.s32 @!p0 $0x0  }
0x12: {  	s1 =	sld [smem:$0x3F94];
	s0 =	simm.s32 @p0 $0x1  }
0x13: {  	[smem:$0x3FAF] =	sst s0;
	s0 =	simm.s32 @!p1 $0x0  }
0x14: {  	s2 =	sld [smem:$0x3F93];
	s0 =	simm.s32 @p1 $0x1  }
0x15: {  	[smem:$0x3FB0] =	sst s0;
	s0 =	simm.s32 @!p2 $0x0  }
0x16: {  	s3 =	sld [smem:$0x3FDB];
	s0 =	simm.s32 @p2 $0x1  }
0x17: {  	s4 =	simm.s32 $0x1BF5;
	[smem:$0x3FB2] =	sst s0  }
0x18: {  	s0 =	sld [smem:$0x3F95];
	_ =	swait.ge [sflag:s4], $0x0  }
0x19: {  	s7 =	sld [smem:$0x3F96]  }
0x1a: {  	s8 =	sadd.s32 $0xFFFFE003, lr  }
0x1b: {  	s9 =	sadd.s32 $0xFFFFFEF7, lr;
	s5 =	simm.s32 $0xFFFFFFFF;
	p2 =	slt.u32 s8, $0xFFFFF086  }
0x1c: {  	p1 =	slt.u32 s9, $0xF7A;
	s5 =	simm.s32 @!p2 $0x0  }
0x1d: {  	s5 =	simm.s32 @p1 $0x1;
	p0 =	seq.s32 s7, s2  }
0x1e: {  	s7 =	smul.u32 @!p0 $0xF7A, s2;
	p2 =	seq.s32 @!p0 s5, $0x0  }
0x1f: {  	s9 =	smul.u32 $0xF7A, s1;
	s8 =	simm.s32 @!p0 $0x1BF5;
	p2 =	por !p2, p0  }
0x20: {  	[sflag:s8] =	ssyncset.s32 @!p0 $0xFFFFF086;
	s6 =	sadd.s32 @!p0 s3, s7;
	s7 =	simm.s32 @!p0 $0x108  }
0x21: {  	s3 =	sadd.s32 s3, s9;
	s6 =	sadd.s32 @!p0 $0x88, s6;
	s7 =	simm.s32 @p2 $0x1082  }
0x22: {  	[simem:s7], [sflag:s8] =	dma.local @!p0 [hbm:s6], $0xF7A  }
0x23: {  	s9 =	sor.u32 $0xD0000000, s2;
	s6 =	simm.s32 $0x108;
	_ =	swait.ge @!p0 [sflag:s8], $0x0  }
0x24: {  	s3 =	sadd.s32 $0x88, s3;
	s6 =	simm.s32 @!p1 $0x1082;
	[sflag:s4] =	ssyncset.s32 $0xFFFFF086  }
0x25: {  	[simem:s6], [sflag:s4] =	dma.local [hbm:s3], $0xF7A  }
0x26: {  	[smem:$0x3F96] =	sst s1;
	(tag) =	ssettag s2;
	_ =	strace s9  }
0x27: {  	s1 =	sld [smem:$0x3FA6]  }
0x28: {  	s2 =	sld [smem:$0x3FA7]  }
0x29: {  	s4 =	sld [smem:$0x3FA9]  }
0x2a: {  	p0 =	seq.s32 s5, $0x0;
	s5 =	sld [smem:$0x3FAA]  }
0x2b: {  	s6 =	sld [smem:$0x3FAB]  }
0x2c: {  	s7 =	sld [smem:$0x3FAC]  }
0x2d: {  	s3 =	simm.s32 $0x108;
	s8 =	sld [smem:$0x3FAD]  }
0x2e: {  	s3 =	simm.s32 @!p0 $0x1082;
	s9 =	sld [smem:$0x3FAE]  }
0x2f: {  	lr =	sadd.s32 s0, s3;
	s0 =	sld [smem:$0x3FA5]  }
0x30: {  	s3 =	sld [smem:$0x3FA8]  }
0x31: {  	[smem:$0x3FB1] =	sst s10  }
0x32: {  	s10 =	sld [smem:$0x3FAF];
	_ =	sdelay $0x3  }
0x33: {  	p0 =	seq.s32 s10, $0x1;
	s10 =	sld [smem:$0x3FB1];
	_ =	sdelay $0x3  }
0x34: {  	[smem:$0x3FB1] =	sst s10  }
0x35: {  	s10 =	sld [smem:$0x3FB0];
	_ =	sdelay $0x3  }
0x36: {  	p1 =	seq.s32 s10, $0x1;
	s10 =	sld [smem:$0x3FB1];
	_ =	sdelay $0x3  }
0x37: {  	[smem:$0x3FB1] =	sst s10  }
0x38: {  	s10 =	sld [smem:$0x3FB2]  }
0x39: {  	_ = 	snop;
	(pc) =	sbr.ind lr, $3  }
0x3a: {  	_ = 	snop  }
0x3b: {  	_ = 	snop  }
0x3c: {  	p2 =	seq.s32 s10, $0x1;
	s10 =	sld [smem:$0x3FB1]  }
0x3d: {  	_ =	shalt  }
0x3e: {  	_ =	shalt  }
0x3f: {  	_ =	shalt  }
0x40: {  	_ =	shalt  }
0x41: {  	_ =	shalt  }
0x42: {  	_ =	shalt  }
0x43: {  	_ =	shalt  }
0x44: {  	_ =	shalt  }
0x45: {  	_ =	shalt  }
0x46: {  	_ =	shalt  }
0x47: {  	_ =	shalt  }
0x48: {  	_ =	shalt  }
0x49: {  	_ =	shalt  }
0x4a: {  	_ =	shalt  }
0x4b: {  	_ =	shalt  }
0x4c: {  	_ =	shalt  }
0x4d: {  	_ =	shalt  }
0x4e: {  	_ =	shalt  }
0x4f: {  	_ =	shalt  }
0x50: {  	_ =	shalt  }
0x51: {  	_ =	shalt  }
0x52: {  	_ =	shalt  }
0x53: {  	_ =	shalt  }
0x54: {  	_ =	shalt  }
0x55: {  	_ =	shalt  }
0x56: {  	_ =	shalt  }
0x57: {  	_ =	shalt  }
0x58: {  	_ =	shalt  }
0x59: {  	_ =	shalt  }
0x5a: {  	_ =	shalt  }
0x5b: {  	_ =	shalt  }
0x5c: {  	_ =	shalt  }
0x5d: {  	_ =	shalt  }
0x5e: {  	_ =	shalt  }
0x5f: {  	_ =	shalt  }
0x60: {  	_ =	shalt  }
0x61: {  	_ =	shalt  }
0x62: {  	_ =	shalt  }
0x63: {  	_ =	shalt  }
0x64: {  	_ =	shalt  }
0x65: {  	_ =	shalt  }
0x66: {  	_ =	shalt  }
0x67: {  	_ =	shalt  }
0x68: {  	_ =	shalt  }
0x69: {  	_ =	shalt  }
0x6a: {  	_ =	shalt  }
0x6b: {  	_ =	shalt  }
0x6c: {  	_ =	shalt  }
0x6d: {  	_ =	shalt  }
0x6e: {  	_ =	shalt  }
0x6f: {  	_ =	shalt  }
0x70: {  	_ =	shalt  }
0x71: {  	_ =	shalt  }
0x72: {  	_ =	shalt  }
0x73: {  	_ =	shalt  }
0x74: {  	_ =	shalt  }
0x75: {  	_ =	shalt  }
0x76: {  	_ =	shalt  }
0x77: {  	_ =	shalt  }
0x78: {  	_ =	shalt  }
0x79: {  	_ =	shalt  }
0x7a: {  	_ =	shalt  }
0x7b: {  	_ =	shalt  }
0x7c: {  	_ =	shalt  }
0x7d: {  	_ =	shalt  }
0x7e: {  	_ =	shalt  }
0x7f: {  	_ =	shalt  }
0x80: {  	_ =	shalt  }
0x81: {  	_ =	shalt  }
0x82: {  	_ =	shalt  }
0x83: {  	_ =	shalt  }
0x84: {  	_ =	shalt  }
0x85: {  	_ =	shalt  }
0x86: {  	_ =	shalt  }
0x87: {  	_ =	shalt  }
.Lfunc_end0:
.L_simem_size_0:
called_computation_lowered:
.L_overlay_start_0:
0x88: {  	s2 =	sld [smem:$0x3FD9]  }
0x89: {  	s3 =	sld [smem:$0x3FFE];
	_ =	sdelay $0x1  }
0x8a: {  	s1 =	srdreg.scid  }
0x8b: {  	s0 =	sand.u32 $0x1, s1  }
0x8c: {  	s14 =	sshll.u32 s0, $0xA;
	s2 =	sadd.s32 s3, s2  }
0x8d: {  	s2 =	sadd.s32 s2, s14  }
0x8e: {  	[smem:$0x3FBD] =	sst s2  }
0x8f: {  	_ = 	snop  }
0x90: {  	s2 =	sld [smem:$0x3FD0];
	_ =	sdelay $0x1  }
0x91: {  	s15 =	sld [smem:$0x3FC8]  }
0x92: {  	s5 =	simm.s32 $0xA;
	s6 =	simm.s32 $0x10;
	s4 =	sld [smem:$0x3FC7]  }
0x93: {  	[smem:s6], [sflag:s5] =	dma.local [hbm:s2], $0x1  }
0x94: {  	_ =	swait.eq [sflag:s5], $0x1  }
0x95: {  	[sflag:s5] =	ssyncset.done $0x0  }
0x96: {  	s16 =	sld [smem:$0x10];
	[sflag:s5] =	ssyncadd.s32 $0xFFFFFFFF  }
0x97: {  	s17 =	sld [smem:$0x11];
	(tm) =	ssettm $0x1  }
0x98: {  	s18 =	sld [smem:$0x3FFB];
	_ =	sdelay $0x3  }
0x99: {  	_ =	strace s18  }
0x9a: {  	s6 =	sld [smem:$0x3FFC];
	_ =	sdelay $0x3  }
0x9b: {  	_ =	strace s6  }
0x9c: {  	s6 =	sld [smem:$0x3FFD];
	_ =	sdelay $0x3  }
0x9d: {  	_ =	strace s6  }
0x9e: {  	_ =	strace $0x8FFFFFFF  }
0x9f: {  	s19 =	sld [smem:$0x3FDB];
	_ =	sdelay $0x1  }
0xa0: {  	s7 =	simm.s32 $_scs_section_size  }
0xa1: {  	s8 =	simm.s32 $_size__tile_overlayer_lowered;
	s9 =	simm.s32 $_tile_overlayer_lowered  }
0xa2: {  	s22 =	simm.s32 $0x1BFF;
	s21 =	sshll.u32 s9, $0x1;
	s6 =	sadd.s32 s7, s19  }
0xa3: {  	s10 =	simm.s32 $0x0;
	s20 =	sshll.u32 s8, $0x1;
	s8 =	sadd.s32 s21, s6  }
0xa4: {  	[timem:s10], [sflag:s22] =	dma.local [hbm:s8], s20  }
0xa5: {  	_ =	swait.ge [sflag:s22], s20  }
0xa6: {  	s7 =	ssub.s32 $0x0, s20;
	[sflag:s22] =	ssyncset.done $0x0  }
0xa7: {  	[sflag:s22] =	ssyncadd.s32 s7;
	_ =	sdelay $0x1  }
0xa8: {  	s23 =	simm.s32 $0x1B8B  }
0xa9: {  	_ =	swait.ge [sflag:s23], $0x1  }
0xaa: {  	[sflag:s23] =	ssyncset.done $0x0  }
0xab: {  	s25 =	simm.s32 $0x1B8E;
	s24 =	sld [smem:$0x3FFE];
	[sflag:s23] =	ssyncadd.s32 $0xFFFFFFFF  }
0xac: {  	s26 =	simm.s32 $execute0_lowered;
	[smem:$0x3FD2] =	sst s25  }
0xad: {  	s8 =	sshll.u32 s26, $0x1;
	_ =	strace $0x80000046;
	[dreg:$0x1] =	wrdreg $0xFFFFFFFF  }
0xae: {  	s28 =	simm.s32 $_size_execute0_lowered;
	s6 =	sadd.s32 s6, s8;
	[dreg:$0x0] =	wrdreg $0x0  }
0xaf: {  	s8 =	sshll.u32 s28, $0x1;
	[dreg:$0x2] =	wrdreg s6  }
0xb0: {  	[dreg:$0x3] =	wrdreg s8  }
0xb1: {  	[dreg:$0x4] =	wrdreg $0xC0  }
0xb2: {  	_ =	task [dreg:s10], $0x5FFFF  }
0xb3: {  	[dreg:$0x1] =	wrdreg $0xFFFFFFFF  }
0xb4: {  	[dreg:$0x0] =	wrdreg $0x60  }
0xb5: {  	[dreg:$0x2] =	wrdreg s15  }
0xb6: {  	[dreg:$0x3] =	wrdreg s4  }
0xb7: {  	[dreg:$0x4] =	wrdreg s17  }
0xb8: {  	[dreg:$0x5] =	wrdreg s16  }
0xb9: {  	[dreg:$0x6] =	wrdreg s24  }
0xba: {  	[dreg:$0x7] =	wrdreg $0x0  }
0xbb: {  	[dreg:$0x8] =	wrdreg $0x9  }
0xbc: {  	_ =	task.clear_ibuf [dreg:s10], $0x9FFFF;
	_ =	strace $0x90000046  }
0xbd: {  	s29 =	simm.s32 $0x9;
	_ =	strace $0x80000048  }
0xbe: {  	_ =	swait.ge [sflag:s29], $0x1  }
0xbf: {  	[sflag:s29] =	ssyncadd.s32 $0xFFFFFFFF  }
0xc0: {  	_ =	strace $0x90000048  }
0xc1: {  	_ =	sfence  }
0xc2: {  	s30 =	sld [smem:$0x0];
	_ =	sdelay $0x2  }
0xc3: {  	s31 =	sshll.u32 s1, $0xD;
	s1 =	sshrl.u32 s1, $0x2  }
0xc4: {  	s3 =	sand.u32 $0x4000, s31;
	s1 =	sadd.s32 s1, s30  }
0xc5: {  	s0 =	sor.u32 s3, s0;
	s1 =	sshll.u32 s1, $0x11  }
0xc6: {  	s0 =	sor.u32 s1, s0  }
0xc7: {  	s0 =	sadd.s32 $0x8F2B, s0  }
0xc8: {  	[sflag:s0] =	ssyncadd.remote.s32 $0x1  }
0xc9: {  	_ =	sfence.sel $0xFFFF  }
0xca: {  	[dreg:$0x0] =	wrdreg $0xFFFFFFFF;
	(pc) =	sbr.abs _section_cstart, $3  }
0xcb: {  	[dreg:$0x1] =	wrdreg $0xFFFFFFFF  }
0xcc: {  	_ =	task.clear_ibuf [dreg:s10], $0x2FFFF;
	_ =	strace $0x9FFFFFFF  }
0xcd: {  	(tm) =	ssettm $0x7FFFFFFF  }
tec
execute0_lowered:
.L_overlay_start_1:
0x0: {  	(tag) =	ssettag $0x1  }
0x1: {  	s1 =	rddreg [dreg:$0x0]  }
0x2: {  	s2 =	rddreg [dreg:$0x1]  }
0x3: {  	s0 =	rddreg [dreg:$0x2]  }
0x4: {  	s4 =	rddreg [dreg:$0x3]  }
0x5: {  	s6 =	rddreg [dreg:$0x4]  }
0x6: {  	s3 =	rddreg [dreg:$0x5];
	s5 =	simm.s32 $0x0  }
0x7: {  	s7 =	srdreg.scid;
	s12 =	stileid.u32;
	s15 =	simm.s32 $0x3  }
0x8: {  	s16 =	simm.s32 $0x14000;
	s17 =	simm.s32 $0x14800;
	s18 =	simm.s32 $0x7D  }
0x9: {  	s19 =	simm.s32 $0x15000;
	s14 =	simm.s32 $0x14080;
	s21 =	simm.s32 $0x19000  }
0xa: {  	s22 =	simm.s32 $0x1;
	s23 =	simm.s32 $0x2;
	s20 =	simm.s32 $0x14880  }
0xb: {  	[smem:$0x7FF] =	sst s5;
	s7 =	sand.u32 $0x1, s7;
	s8 =	sadd.s32 $0x2200, s6  }
0xc: {  	s9 =	smul.u32 $0x50000, s12;
	s10 =	sadd.s32 $0x4A00, s6;
	s6 =	sadd.s32 $0x2CA00, s6  }
0xd: {  	s11 =	smul.u32 $0xA00, s12;
	_ =	strace $0x80000047;
	[dreg:$0x7] =	wrdreg s8  }
0xe: {  	s29 =	sshll.u32 s12, $0x6;
	s31 =	smul.u32 $0x2800, s12;
	[dreg:$0x8] =	wrdreg s10  }
0xf: {  	s26 =	ssub.s32 $0x2, s7;
	[dreg:$0x9] =	wrdreg s6;
	s10 =	sor.u32 $0x1C03, s29  }
.Ltmp0:
0x10: {  	s28 =	sshrl.u32 s26, $0x1;
	s9 =	sshrl.u32 s9, $0x2;
	(pc) =	sbr.rel .LBB2_1-.Ltmp0, $4  }
0x11: {  	[dreg:$0xb] =	wrdreg s31;
	s12 =	sadd.s32 s11, s4;
	s6 =	ssub.s32 s26, s28  }
0x12: {  	[dreg:$0xa] =	wrdreg s10;
	s30 =	sadd.s32 s9, s3;
	s6 =	smax.u32 s6, $0x1  }
0x13: {  	s13 =	sadd.s32 s11, s0;
	s11 =	sshrl.u32 s30, $0x3;
	[dreg:$0xc] =	wrdreg s6  }
0x14: {  	p0 =	sne.s32 s7, $0x0;
	s0 =	simm.s32 $0x0;
	[dreg:$0xd] =	wrdreg s11  }
.LBB2_7:
0x15: {  	s9 =	sadd.s32 s10, s13;
	[sflag:s15] =	ssyncadd.s32 $0xFFFFC180  }
0x16: {  	[tilespmem:s16], [sflag:$0x3] =	stream.linear.gather [hbm4b:s9+s5], $0x800, $0x38;
	[tilespmem:$0x1D000] =	vst v63  }
0x17: {  	_ =	swait.ge [sflag:s15], $0x800  }
0x18: {  	[sflag:s15] =	ssyncset.done $0x0  }
0x19: {  	s11 =	sadd.s32 s10, s12;
	[sflag:s15] =	ssyncadd.s32 $0xFFFFF800  }
0x1a: {  	[tilespmem:s17], [sflag:$0x3] =	stream.linear.gather [hbm4b:s11+s5], $0x800, $0x38;
	[tilespmem:$0x1D000] =	vst v63  }
0x1b: {  	_ =	swait.ge [sflag:s15], $0x800  }
0x1c: {  	[sflag:s15] =	ssyncset.done $0x0  }
0x1d: {  	[sflag:s15] =	ssyncadd.s32 $0xFFFFF800  }
0x1e: {  	[tilespmem:s19], [sflag:$0x1] =	stream.indirect.gather [hbm4b:s2+s18], $0x80, s16, s18, $0xb8;
	[tilespmem:$0x1D000] =	vst v63  }
0x1f: {  	_ = 	snop  }
0x20: {  	[tilespmem:s21], [sflag:$0x2] =	stream.indirect.gather [hbm4b:s2+s18], $0x80, s14, s18, $0xb8;
	[tilespmem:$0x1D000] =	vst v63  }
0x21: {  	_ =	swait.ge [sflag:s22], $0x3E80  }
0x22: {  	[sflag:s22] =	ssyncset.done $0x0  }
0x23: {  	[sflag:s22] =	ssyncadd.s32 $0xFFFFC180  }
0x24: {  	[spmem:s3] =	stream.indirect.scatter.add.f32 [tilespmem:s19], [sflag:$0x3], $0x80, s17, s18, $0xb8;
	[tilespmem:$0x1D000] =	vst v63  }
0x25: {  	_ =	swait.ge [sflag:s15], $0x3E80  }
0x26: {  	[sflag:s15] =	ssyncset.done $0x0  }
0x27: {  	[sflag:s15] =	ssyncadd.s32 $0xFFFFC180  }
0x28: {  	_ =	swait.ge [sflag:s23], $0x3E80  }
0x29: {  	[sflag:s23] =	ssyncset.done $0x0  }
0x2a: {  	[sflag:s23] =	ssyncadd.s32 $0xFFFFC180  }
0x2b: {  	[spmem:s3] =	stream.indirect.scatter.add.f32 [tilespmem:s21], [sflag:$0x3], $0x80, s20, s18, $0xb8;
	[tilespmem:$0x1D000] =	vst v63  }
0x2c: {  	_ =	swait.ge [sflag:s15], $0x3E80  }
0x2d: {  	[sflag:s15] =	ssyncset.done $0x0  }
0x2e: {  	[sflag:s15] =	ssyncadd.s32 $0xFFFFC180  }
0x2f: {  	[tilespmem:s19], [sflag:$0x1] =	stream.indirect.gather [hbm4b:s2+s18], $0x80, s24, s18, $0xb8;
	[tilespmem:$0x1D000] =	vst v63  }
0x30: {  	_ = 	snop  }
0x31: {  	[tilespmem:s21], [sflag:$0x2] =	stream.indirect.gather [hbm4b:s2+s18], $0x80, s25, s18, $0xb8;
	[tilespmem:$0x1D000] =	vst v63  }
0x32: {  	_ =	swait.ge [sflag:s22], $0x3E80  }
0x33: {  	[sflag:s22] =	ssyncset.done $0x0  }
0x34: {  	[sflag:s22] =	ssyncadd.s32 $0xFFFFC180  }
0x35: {  	[spmem:s3] =	stream.indirect.scatter.add.f32 [tilespmem:s19], [sflag:$0x3], $0x80, s26, s18, $0xb8;
	[tilespmem:$0x1D000] =	vst v63  }
0x36: {  	_ =	swait.ge [sflag:s15], $0x3E80  }
0x37: {  	[sflag:s15] =	ssyncset.done $0x0  }
0x38: {  	[sflag:s15] =	ssyncadd.s32 $0xFFFFC180  }
0x39: {  	_ =	swait.ge [sflag:s23], $0x3E80  }
0x3a: {  	[sflag:s23] =	ssyncset.done $0x0  }
0x3b: {  	[sflag:s23] =	ssyncadd.s32 $0xFFFFC180  }
0x3c: {  	[spmem:s3] =	stream.indirect.scatter.add.f32 [tilespmem:s21], [sflag:$0x3], $0x80, s28, s18, $0xb8;
	[tilespmem:$0x1D000] =	vst v63  }
0x3d: {  	_ =	swait.ge [sflag:s15], $0x3E80  }
0x3e: {  	[sflag:s15] =	ssyncset.done $0x0  }
0x3f: {  	[sflag:s15] =	ssyncadd.s32 $0xFFFFC180  }
0x40: {  	[tilespmem:s19], [sflag:$0x1] =	stream.indirect.gather [hbm4b:s2+s18], $0x80, s29, s18, $0xb8;
	[tilespmem:$0x1D000] =	vst v63  }
0x41: {  	_ = 	snop  }
0x42: {  	[tilespmem:s21], [sflag:$0x2] =	stream.indirect.gather [hbm4b:s2+s18], $0x80, s30, s18, $0xb8;
	[tilespmem:$0x1D000] =	vst v63  }
0x43: {  	_ =	swait.ge [sflag:s22], $0x3E80  }
0x44: {  	[sflag:s22] =	ssyncset.done $0x0  }
0x45: {  	[sflag:s22] =	ssyncadd.s32 $0xFFFFC180  }
0x46: {  	[spmem:s3] =	stream.indirect.scatter.add.f32 [tilespmem:s19], [sflag:$0x3], $0x80, s31, s18, $0xb8;
	[tilespmem:$0x1D000] =	vst v63  }
0x47: {  	_ =	swait.ge [sflag:s15], $0x3E80  }
0x48: {  	[sflag:s15] =	ssyncset.done $0x0  }
0x49: {  	[sflag:s15] =	ssyncadd.s32 $0xFFFFC180  }
0x4a: {  	_ =	swait.ge [sflag:s23], $0x3E80  }
0x4b: {  	[sflag:s23] =	ssyncset.done $0x0  }
0x4c: {  	[sflag:s23] =	ssyncadd.s32 $0xFFFFC180  }
0x4d: {  	[spmem:s3] =	stream.indirect.scatter.add.f32 [tilespmem:s21], [sflag:$0x3], $0x80, s0, s18, $0xb8;
	[tilespmem:$0x1D000] =	vst v63  }
0x4e: {  	_ =	swait.ge [sflag:s15], $0x3E80  }
0x4f: {  	[sflag:s15] =	ssyncset.done $0x0  }
0x50: {  	[sflag:s15] =	ssyncadd.s32 $0xFFFFC180  }
0x51: {  	[tilespmem:s19], [sflag:$0x1] =	stream.indirect.gather [hbm4b:s2+s18], $0x80, s4, s18, $0xb8;
	[tilespmem:$0x1D000] =	vst v63  }
0x52: {  	_ = 	snop  }
0x53: {  	[tilespmem:s21], [sflag:$0x2] =	stream.indirect.gather [hbm4b:s2+s18], $0x80, s7, s18, $0xb8;
	[tilespmem:$0x1D000] =	vst v63  }
0x54: {  	_ =	swait.ge [sflag:s22], $0x3E80  }
0x55: {  	[sflag:s22] =	ssyncset.done $0x0  }
0x56: {  	[sflag:s22] =	ssyncadd.s32 $0xFFFFC180  }
0x57: {  	[spmem:s3] =	stream.indirect.scatter.add.f32 [tilespmem:s19], [sflag:$0x3], $0x80, s8, s18, $0xb8;
	[tilespmem:$0x1D000] =	vst v63  }
0x58: {  	_ =	swait.ge [sflag:s15], $0x3E80  }
0x59: {  	[sflag:s15] =	ssyncset.done $0x0  }
0x5a: {  	[sflag:s15] =	ssyncadd.s32 $0xFFFFC180  }
0x5b: {  	_ =	swait.ge [sflag:s23], $0x3E80  }
0x5c: {  	[sflag:s23] =	ssyncset.done $0x0  }
0x5d: {  	[sflag:s23] =	ssyncadd.s32 $0xFFFFC180  }
0x5e: {  	[spmem:s3] =	stream.indirect.scatter.add.f32 [tilespmem:s21], [sflag:$0x3], $0x80, s6, s18, $0xb8;
	[tilespmem:$0x1D000] =	vst v63  }
0x5f: {  	_ =	swait.ge [sflag:s15], $0x3E80  }
0x60: {  	[sflag:s15] =	ssyncset.done $0x0  }
0x61: {  	s30 =	simm.s32 $0x14400;
	[sflag:s15] =	ssyncadd.s32 $0xFFFFC180  }
0x62: {  	[tilespmem:s19], [sflag:$0x1] =	stream.indirect.gather [hbm4b:s2+s18], $0x80, s30, s18, $0xb8;
	[tilespmem:$0x1D000] =	vst v63  }
0x63: {  	s31 =	simm.s32 $0x14480  }
0x64: {  	[tilespmem:s21], [sflag:$0x2] =	stream.indirect.gather [hbm4b:s2+s18], $0x80, s31, s18, $0xb8;
	[tilespmem:$0x1D000] =	vst v63  }
0x65: {  	_ =	swait.ge [sflag:s22], $0x3E80  }
0x66: {  	[sflag:s22] =	ssyncset.done $0x0  }
0x67: {  	s4 =	simm.s32 $0x14C00;
	[sflag:s22] =	ssyncadd.s32 $0xFFFFC180  }
0x68: {  	[spmem:s3] =	stream.indirect.scatter.add.f32 [tilespmem:s19], [sflag:$0x3], $0x80, s4, s18, $0xb8;
	[tilespmem:$0x1D000] =	vst v63  }
0x69: {  	_ =	swait.ge [sflag:s15], $0x3E80  }
0x6a: {  	[sflag:s15] =	ssyncset.done $0x0  }
0x6b: {  	[sflag:s15] =	ssyncadd.s32 $0xFFFFC180  }
0x6c: {  	_ =	swait.ge [sflag:s23], $0x3E80  }
0x6d: {  	[sflag:s23] =	ssyncset.done $0x0  }
0x6e: {  	s6 =	simm.s32 $0x14C80;
	[sflag:s23] =	ssyncadd.s32 $0xFFFFC180  }
0x6f: {  	[spmem:s3] =	stream.indirect.scatter.add.f32 [tilespmem:s21], [sflag:$0x3], $0x80, s6, s18, $0xb8;
	[tilespmem:$0x1D000] =	vst v63  }
0x70: {  	_ =	swait.ge [sflag:s15], $0x3E80  }
0x71: {  	[sflag:s15] =	ssyncset.done $0x0  }
0x72: {  	s7 =	simm.s32 $0x14500;
	[sflag:s15] =	ssyncadd.s32 $0xFFFFC180  }
0x73: {  	[tilespmem:s19], [sflag:$0x1] =	stream.indirect.gather [hbm4b:s2+s18], $0x80, s7, s18, $0xb8;
	[tilespmem:$0x1D000] =	vst v63  }
0x74: {  	s8 =	simm.s32 $0x14580  }
0x75: {  	[tilespmem:s21], [sflag:$0x2] =	stream.indirect.gather [hbm4b:s2+s18], $0x80, s8, s18, $0xb8;
	[tilespmem:$0x1D000] =	vst v63  }
0x76: {  	_ =	swait.ge [sflag:s22], $0x3E80  }
0x77: {  	[sflag:s22] =	ssyncset.done $0x0  }
0x78: {  	s9 =	simm.s32 $0x14D00;
	[sflag:s22] =	ssyncadd.s32 $0xFFFFC180  }
0x79: {  	[spmem:s3] =	stream.indirect.scatter.add.f32 [tilespmem:s19], [sflag:$0x3], $0x80, s9, s18, $0xb8;
	[tilespmem:$0x1D000] =	vst v63  }
0x7a: {  	_ =	swait.ge [sflag:s15], $0x3E80  }
0x7b: {  	[sflag:s15] =	ssyncset.done $0x0  }
0x7c: {  	[sflag:s15] =	ssyncadd.s32 $0xFFFFC180  }
0x7d: {  	_ =	swait.ge [sflag:s23], $0x3E80  }
0x7e: {  	[sflag:s23] =	ssyncset.done $0x0  }
0x7f: {  	s10 =	simm.s32 $0x14D80;
	[sflag:s23] =	ssyncadd.s32 $0xFFFFC180  }
0x80: {  	[spmem:s3] =	stream.indirect.scatter.add.f32 [tilespmem:s21], [sflag:$0x3], $0x80, s10, s18, $0xb8;
	[tilespmem:$0x1D000] =	vst v63  }
0x81: {  	_ =	swait.ge [sflag:s15], $0x3E80  }
0x82: {  	[sflag:s15] =	ssyncset.done $0x0  }
0x83: {  	s11 =	simm.s32 $0x14600;
	[sflag:s15] =	ssyncadd.s32 $0xFFFFC180  }
0x84: {  	[tilespmem:s19], [sflag:$0x1] =	stream.indirect.gather [hbm4b:s2+s18], $0x80, s11, s18, $0xb8;
	[tilespmem:$0x1D000] =	vst v63  }
0x85: {  	s24 =	simm.s32 $0x14680  }
0x86: {  	[tilespmem:s21], [sflag:$0x2] =	stream.indirect.gather [hbm4b:s2+s18], $0x80, s24, s18, $0xb8;
	[tilespmem:$0x1D000] =	vst v63  }
0x87: {  	_ =	swait.ge [sflag:s22], $0x3E80  }
0x88: {  	[sflag:s22] =	ssyncset.done $0x0  }
0x89: {  	s25 =	simm.s32 $0x14E00;
	[sflag:s22] =	ssyncadd.s32 $0xFFFFC180  }
0x8a: {  	[spmem:s3] =	stream.indirect.scatter.add.f32 [tilespmem:s19], [sflag:$0x3], $0x80, s25, s18, $0xb8;
	[tilespmem:$0x1D000] =	vst v63  }
0x8b: {  	_ =	swait.ge [sflag:s15], $0x3E80  }
0x8c: {  	[sflag:s15] =	ssyncset.done $0x0  }
0x8d: {  	[sflag:s15] =	ssyncadd.s32 $0xFFFFC180  }
0x8e: {  	_ =	swait.ge [sflag:s23], $0x3E80  }
0x8f: {  	[sflag:s23] =	ssyncset.done $0x0  }
0x90: {  	s26 =	simm.s32 $0x14E80;
	[sflag:s23] =	ssyncadd.s32 $0xFFFFC180  }
0x91: {  	[spmem:s3] =	stream.indirect.scatter.add.f32 [tilespmem:s21], [sflag:$0x3], $0x80, s26, s18, $0xb8;
	[tilespmem:$0x1D000] =	vst v63  }
0x92: {  	_ =	swait.ge [sflag:s15], $0x3E80  }
0x93: {  	[sflag:s15] =	ssyncset.done $0x0  }
0x94: {  	s28 =	simm.s32 $0x14700;
	[sflag:s15] =	ssyncadd.s32 $0xFFFFC180  }
0x95: {  	[tilespmem:s19], [sflag:$0x1] =	stream.indirect.gather [hbm4b:s2+s18], $0x80, s28, s18, $0xb8;
	[tilespmem:$0x1D000] =	vst v63  }
0x96: {  	s29 =	simm.s32 $0x14780  }
0x97: {  	[tilespmem:s21], [sflag:$0x2] =	stream.indirect.gather [hbm4b:s2+s18], $0x80, s29, s18, $0xb8;
	[tilespmem:$0x1D000] =	vst v63  }
0x98: {  	_ =	swait.ge [sflag:s22], $0x3E80  }
0x99: {  	[sflag:s22] =	ssyncset.done $0x0  }
0x9a: {  	s30 =	simm.s32 $0x14F00;
	[sflag:s22] =	ssyncadd.s32 $0xFFFFC180  }
0x9b: {  	[spmem:s3] =	stream.indirect.scatter.add.f32 [tilespmem:s19], [sflag:$0x3], $0x80, s30, s18, $0xb8;
	[tilespmem:$0x1D000] =	vst v63  }
0x9c: {  	_ =	swait.ge [sflag:s15], $0x3E80  }
0x9d: {  	[sflag:s15] =	ssyncset.done $0x0  }
0x9e: {  	[sflag:s15] =	ssyncadd.s32 $0xFFFFC180  }
0x9f: {  	_ =	swait.ge [sflag:s23], $0x3E80  }
0xa0: {  	[sflag:s23] =	ssyncset.done $0x0  }
0xa1: {  	s31 =	simm.s32 $0x14F80;
	[sflag:s23] =	ssyncadd.s32 $0xFFFFC180  }
0xa2: {  	[spmem:s3] =	stream.indirect.scatter.add.f32 [tilespmem:s21], [sflag:$0x3], $0x80, s31, s18, $0xb8;
	[tilespmem:$0x1D000] =	vst v63  }
0xa3: {  	_ =	swait.ge [sflag:s15], $0x3E80  }
0xa4: {  	[sflag:s15] =	ssyncset.done $0x0;
	s9 =	rddreg [dreg:$0x9]  }
0xa5: {  	s0 =	rddreg [dreg:$0xe];
	[sflag:s15] =	ssyncadd.s32 $0xFFFFC180  }
.LBB2_8:
0xa6: {  	s10 =	rddreg [dreg:$0xb];
	[bflag:$0x0] =	sbarrier.arrive $0xFFFF  }
0xa7: {  	s9 =	sadd.s32 s9, s10;
	s10 =	rddreg [dreg:$0xa]  }
0xa8: {  	s11 =	rddreg [dreg:$0xd]  }
0xa9: {  	[hbm:s9], [sflag:s10] =	dma.local [spmem:s11], $0x2800  }
0xaa: {  	_ =	swait.ge [sflag:s15], $0x2800  }
0xab: {  	s0 =	sadd.s32 $0x1, s0;
	s31 =	rddreg [dreg:$0xc]  }
0xac: {  	p1 =	sne.s32 s0, s31  }
.Ltmp1:
0xad: {  	_ = 	snop;
	(pc) =	sbr.rel @!p1 .LBB2_9-.Ltmp1, $3  }
0xae: {  	_ =	sdelay $0x1  }
0xaf: {  	[sflag:s15] =	ssyncset.done $0x0  }
0xb0: {  	[sflag:s15] =	ssyncadd.s32 $0xFFFFD800  }
.LBB2_1:
0xb1: {  	[dreg:$0xe] =	wrdreg s0  }
0xb2: {  	s9 =	rddreg [dreg:$0x7]  }
0xb3: {  	[spmem:s11], [sflag:s10] =	dma.local [hbm:s9], $0x2800  }
.Ltmp2:
0xb4: {  	_ =	swait.ge [sflag:s15], $0x2800;
	(pc) =	sbr.rel @p0 .LBB2_5-.Ltmp2, $4  }
0xb5: {  	[sflag:s15] =	ssyncset.done $0x0  }
0xb6: {  	[sflag:s15] =	ssyncadd.s32 $0xFFFFD800  }
0xb7: {  	[bflag:$0x0] =	sbarrier.arrive $0xFFFF  }
0xb8: {  	s9 =	sadd.s32 $0x0, s13  }
0xb9: {  	[tilespmem:s16], [sflag:$0x3] =	stream.linear.gather [hbm4b:s9+s5], $0x800, $0x38;
	[tilespmem:$0x1D000] =	vst v63  }
0xba: {  	_ =	swait.ge [sflag:s15], $0x800  }
0xbb: {  	[sflag:s15] =	ssyncset.done $0x0  }
0xbc: {  	s8 =	sadd.s32 $0x0, s12;
	[sflag:s15] =	ssyncadd.s32 $0xFFFFF800  }
0xbd: {  	[tilespmem:s17], [sflag:$0x3] =	stream.linear.gather [hbm4b:s8+s5], $0x800, $0x38;
	[tilespmem:$0x1D000] =	vst v63  }
0xbe: {  	_ =	swait.ge [sflag:s15], $0x800  }
0xbf: {  	[sflag:s15] =	ssyncset.done $0x0  }
0xc0: {  	[sflag:s15] =	ssyncadd.s32 $0xFFFFF800  }
0xc1: {  	[tilespmem:s19], [sflag:$0x1] =	stream.indirect.gather [hbm4b:s1+s18], $0x80, s16, s18, $0xb8;
	[tilespmem:$0x1D000] =	vst v63  }
0xc2: {  	_ = 	snop  }
0xc3: {  	[tilespmem:s21], [sflag:$0x2] =	stream.indirect.gather [hbm4b:s1+s18], $0x80, s14, s18, $0xb8;
	[tilespmem:$0x1D000] =	vst v63  }
0xc4: {  	_ =	swait.ge [sflag:s22], $0x3E80  }
0xc5: {  	[sflag:s22] =	ssyncset.done $0x0  }
0xc6: {  	[sflag:s22] =	ssyncadd.s32 $0xFFFFC180  }
0xc7: {  	[spmem:s3] =	stream.indirect.scatter.add.f32 [tilespmem:s19], [sflag:$0x3], $0x80, s17, s18, $0xb8;
	[tilespmem:$0x1D000] =	vst v63  }
0xc8: {  	_ =	swait.ge [sflag:s15], $0x3E80  }
0xc9: {  	[sflag:s15] =	ssyncset.done $0x0  }
0xca: {  	[sflag:s15] =	ssyncadd.s32 $0xFFFFC180  }
0xcb: {  	_ =	swait.ge [sflag:s23], $0x3E80  }
0xcc: {  	[sflag:s23] =	ssyncset.done $0x0  }
0xcd: {  	[sflag:s23] =	ssyncadd.s32 $0xFFFFC180  }
0xce: {  	[spmem:s3] =	stream.indirect.scatter.add.f32 [tilespmem:s21], [sflag:$0x3], $0x80, s20, s18, $0xb8;
	[tilespmem:$0x1D000] =	vst v63  }
0xcf: {  	_ =	swait.ge [sflag:s15], $0x3E80  }
0xd0: {  	[sflag:s15] =	ssyncset.done $0x0  }
0xd1: {  	s24 =	simm.s32 $0x14100;
	[sflag:s15] =	ssyncadd.s32 $0xFFFFC180  }
0xd2: {  	[tilespmem:s19], [sflag:$0x1] =	stream.indirect.gather [hbm4b:s1+s18], $0x80, s24, s18, $0xb8;
	[tilespmem:$0x1D000] =	vst v63  }
0xd3: {  	s25 =	simm.s32 $0x14180  }
0xd4: {  	[tilespmem:s21], [sflag:$0x2] =	stream.indirect.gather [hbm4b:s1+s18], $0x80, s25, s18, $0xb8;
	[tilespmem:$0x1D000] =	vst v63  }
0xd5: {  	_ =	swait.ge [sflag:s22], $0x3E80  }
0xd6: {  	[sflag:s22] =	ssyncset.done $0x0  }
0xd7: {  	s26 =	simm.s32 $0x14900;
	[sflag:s22] =	ssyncadd.s32 $0xFFFFC180  }
0xd8: {  	[spmem:s3] =	stream.indirect.scatter.add.f32 [tilespmem:s19], [sflag:$0x3], $0x80, s26, s18, $0xb8;
	[tilespmem:$0x1D000] =	vst v63  }
0xd9: {  	_ =	swait.ge [sflag:s15], $0x3E80  }
0xda: {  	[sflag:s15] =	ssyncset.done $0x0  }
0xdb: {  	[sflag:s15] =	ssyncadd.s32 $0xFFFFC180  }
0xdc: {  	_ =	swait.ge [sflag:s23], $0x3E80  }
0xdd: {  	[sflag:s23] =	ssyncset.done $0x0  }
0xde: {  	s28 =	simm.s32 $0x14980;
	[sflag:s23] =	ssyncadd.s32 $0xFFFFC180  }
0xdf: {  	[spmem:s3] =	stream.indirect.scatter.add.f32 [tilespmem:s21], [sflag:$0x3], $0x80, s28, s18, $0xb8;
	[tilespmem:$0x1D000] =	vst v63  }
0xe0: {  	_ =	swait.ge [sflag:s15], $0x3E80  }
0xe1: {  	[sflag:s15] =	ssyncset.done $0x0  }
0xe2: {  	s29 =	simm.s32 $0x14200;
	[sflag:s15] =	ssyncadd.s32 $0xFFFFC180  }
0xe3: {  	[tilespmem:s19], [sflag:$0x1] =	stream.indirect.gather [hbm4b:s1+s18], $0x80, s29, s18, $0xb8;
	[tilespmem:$0x1D000] =	vst v63  }
0xe4: {  	s30 =	simm.s32 $0x14280  }
0xe5: {  	[tilespmem:s21], [sflag:$0x2] =	stream.indirect.gather [hbm4b:s1+s18], $0x80, s30, s18, $0xb8;
	[tilespmem:$0x1D000] =	vst v63  }
0xe6: {  	_ =	swait.ge [sflag:s22], $0x3E80  }
0xe7: {  	[sflag:s22] =	ssyncset.done $0x0  }
0xe8: {  	s31 =	simm.s32 $0x14A00;
	[sflag:s22] =	ssyncadd.s32 $0xFFFFC180  }
0xe9: {  	[spmem:s3] =	stream.indirect.scatter.add.f32 [tilespmem:s19], [sflag:$0x3], $0x80, s31, s18, $0xb8;
	[tilespmem:$0x1D000] =	vst v63  }
0xea: {  	_ =	swait.ge [sflag:s15], $0x3E80  }
0xeb: {  	[sflag:s15] =	ssyncset.done $0x0  }
0xec: {  	[sflag:s15] =	ssyncadd.s32 $0xFFFFC180  }
0xed: {  	_ =	swait.ge [sflag:s23], $0x3E80  }
0xee: {  	[sflag:s23] =	ssyncset.done $0x0  }
0xef: {  	s0 =	simm.s32 $0x14A80;
	[sflag:s23] =	ssyncadd.s32 $0xFFFFC180  }
0xf0: {  	[spmem:s3] =	stream.indirect.scatter.add.f32 [tilespmem:s21], [sflag:$0x3], $0x80, s0, s18, $0xb8;
	[tilespmem:$0x1D000] =	vst v63  }
0xf1: {  	_ =	swait.ge [sflag:s15], $0x3E80  }
0xf2: {  	[sflag:s15] =	ssyncset.done $0x0  }
0xf3: {  	s4 =	simm.s32 $0x14300;
	[sflag:s15] =	ssyncadd.s32 $0xFFFFC180  }
0xf4: {  	[tilespmem:s19], [sflag:$0x1] =	stream.indirect.gather [hbm4b:s1+s18], $0x80, s4, s18, $0xb8;
	[tilespmem:$0x1D000] =	vst v63  }
0xf5: {  	s7 =	simm.s32 $0x14380  }
0xf6: {  	[tilespmem:s21], [sflag:$0x2] =	stream.indirect.gather [hbm4b:s1+s18], $0x80, s7, s18, $0xb8;
	[tilespmem:$0x1D000] =	vst v63  }
0xf7: {  	_ =	swait.ge [sflag:s22], $0x3E80  }
0xf8: {  	[sflag:s22] =	ssyncset.done $0x0  }
0xf9: {  	s8 =	simm.s32 $0x14B00;
	[sflag:s22] =	ssyncadd.s32 $0xFFFFC180  }
0xfa: {  	[spmem:s3] =	stream.indirect.scatter.add.f32 [tilespmem:s19], [sflag:$0x3], $0x80, s8, s18, $0xb8;
	[tilespmem:$0x1D000] =	vst v63  }
0xfb: {  	_ =	swait.ge [sflag:s15], $0x3E80  }
0xfc: {  	[sflag:s15] =	ssyncset.done $0x0  }
0xfd: {  	[sflag:s15] =	ssyncadd.s32 $0xFFFFC180  }
0xfe: {  	_ =	swait.ge [sflag:s23], $0x3E80  }
0xff: {  	[sflag:s23] =	ssyncset.done $0x0  }
0x100: {  	s6 =	simm.s32 $0x14B80;
	[sflag:s23] =	ssyncadd.s32 $0xFFFFC180  }
0x101: {  	[spmem:s3] =	stream.indirect.scatter.add.f32 [tilespmem:s21], [sflag:$0x3], $0x80, s6, s18, $0xb8;
	[tilespmem:$0x1D000] =	vst v63  }
0x102: {  	_ =	swait.ge [sflag:s15], $0x3E80  }
0x103: {  	[sflag:s15] =	ssyncset.done $0x0  }
0x104: {  	s10 =	simm.s32 $0x14400;
	[sflag:s15] =	ssyncadd.s32 $0xFFFFC180  }
0x105: {  	[tilespmem:s19], [sflag:$0x1] =	stream.indirect.gather [hbm4b:s1+s18], $0x80, s10, s18, $0xb8;
	[tilespmem:$0x1D000] =	vst v63  }
0x106: {  	s11 =	simm.s32 $0x14480  }
0x107: {  	[tilespmem:s21], [sflag:$0x2] =	stream.indirect.gather [hbm4b:s1+s18], $0x80, s11, s18, $0xb8;
	[tilespmem:$0x1D000] =	vst v63  }
0x108: {  	_ =	swait.ge [sflag:s22], $0x3E80  }
0x109: {  	[sflag:s22] =	ssyncset.done $0x0  }
0x10a: {  	s14 =	simm.s32 $0x14C00;
	[sflag:s22] =	ssyncadd.s32 $0xFFFFC180  }
0x10b: {  	[spmem:s3] =	stream.indirect.scatter.add.f32 [tilespmem:s19], [sflag:$0x3], $0x80, s14, s18, $0xb8;
	[tilespmem:$0x1D000] =	vst v63  }
0x10c: {  	_ =	swait.ge [sflag:s15], $0x3E80  }
0x10d: {  	[sflag:s15] =	ssyncset.done $0x0  }
0x10e: {  	[sflag:s15] =	ssyncadd.s32 $0xFFFFC180  }
0x10f: {  	_ =	swait.ge [sflag:s23], $0x3E80  }
0x110: {  	[sflag:s23] =	ssyncset.done $0x0  }
0x111: {  	s20 =	simm.s32 $0x14C80;
	[sflag:s23] =	ssyncadd.s32 $0xFFFFC180  }
0x112: {  	[spmem:s3] =	stream.indirect.scatter.add.f32 [tilespmem:s21], [sflag:$0x3], $0x80, s20, s18, $0xb8;
	[tilespmem:$0x1D000] =	vst v63  }
0x113: {  	_ =	swait.ge [sflag:s15], $0x3E80  }
0x114: {  	[sflag:s15] =	ssyncset.done $0x0  }
0x115: {  	s10 =	simm.s32 $0x14500;
	[sflag:s15] =	ssyncadd.s32 $0xFFFFC180  }
0x116: {  	[tilespmem:s19], [sflag:$0x1] =	stream.indirect.gather [hbm4b:s1+s18], $0x80, s10, s18, $0xb8;
	[tilespmem:$0x1D000] =	vst v63  }
0x117: {  	s11 =	simm.s32 $0x14580  }
0x118: {  	[tilespmem:s21], [sflag:$0x2] =	stream.indirect.gather [hbm4b:s1+s18], $0x80, s11, s18, $0xb8;
	[tilespmem:$0x1D000] =	vst v63  }
0x119: {  	_ =	swait.ge [sflag:s22], $0x3E80  }
0x11a: {  	[sflag:s22] =	ssyncset.done $0x0  }
0x11b: {  	s14 =	simm.s32 $0x14D00;
	[sflag:s22] =	ssyncadd.s32 $0xFFFFC180  }
0x11c: {  	[spmem:s3] =	stream.indirect.scatter.add.f32 [tilespmem:s19], [sflag:$0x3], $0x80, s14, s18, $0xb8;
	[tilespmem:$0x1D000] =	vst v63  }
0x11d: {  	_ =	swait.ge [sflag:s15], $0x3E80  }
0x11e: {  	[sflag:s15] =	ssyncset.done $0x0  }
0x11f: {  	[sflag:s15] =	ssyncadd.s32 $0xFFFFC180  }
0x120: {  	_ =	swait.ge [sflag:s23], $0x3E80  }
0x121: {  	[sflag:s23] =	ssyncset.done $0x0  }
0x122: {  	s20 =	simm.s32 $0x14D80;
	[sflag:s23] =	ssyncadd.s32 $0xFFFFC180  }
0x123: {  	[spmem:s3] =	stream.indirect.scatter.add.f32 [tilespmem:s21], [sflag:$0x3], $0x80, s20, s18, $0xb8;
	[tilespmem:$0x1D000] =	vst v63  }
0x124: {  	_ =	swait.ge [sflag:s15], $0x3E80  }
0x125: {  	[sflag:s15] =	ssyncset.done $0x0  }
0x126: {  	s10 =	simm.s32 $0x14600;
	[sflag:s15] =	ssyncadd.s32 $0xFFFFC180  }
0x127: {  	[tilespmem:s19], [sflag:$0x1] =	stream.indirect.gather [hbm4b:s1+s18], $0x80, s10, s18, $0xb8;
	[tilespmem:$0x1D000] =	vst v63  }
0x128: {  	s11 =	simm.s32 $0x14680  }
0x129: {  	[tilespmem:s21], [sflag:$0x2] =	stream.indirect.gather [hbm4b:s1+s18], $0x80, s11, s18, $0xb8;
	[tilespmem:$0x1D000] =	vst v63  }
0x12a: {  	_ =	swait.ge [sflag:s22], $0x3E80  }
0x12b: {  	[sflag:s22] =	ssyncset.done $0x0  }
0x12c: {  	s14 =	simm.s32 $0x14E00;
	[sflag:s22] =	ssyncadd.s32 $0xFFFFC180  }
0x12d: {  	[spmem:s3] =	stream.indirect.scatter.add.f32 [tilespmem:s19], [sflag:$0x3], $0x80, s14, s18, $0xb8;
	[tilespmem:$0x1D000] =	vst v63  }
0x12e: {  	_ =	swait.ge [sflag:s15], $0x3E80  }
0x12f: {  	[sflag:s15] =	ssyncset.done $0x0  }
0x130: {  	[sflag:s15] =	ssyncadd.s32 $0xFFFFC180  }
0x131: {  	_ =	swait.ge [sflag:s23], $0x3E80  }
0x132: {  	[sflag:s23] =	ssyncset.done $0x0  }
0x133: {  	s20 =	simm.s32 $0x14E80;
	[sflag:s23] =	ssyncadd.s32 $0xFFFFC180  }
0x134: {  	[spmem:s3] =	stream.indirect.scatter.add.f32 [tilespmem:s21], [sflag:$0x3], $0x80, s20, s18, $0xb8;
	[tilespmem:$0x1D000] =	vst v63  }
0x135: {  	_ =	swait.ge [sflag:s15], $0x3E80  }
0x136: {  	[sflag:s15] =	ssyncset.done $0x0  }
0x137: {  	s10 =	simm.s32 $0x14700;
	[sflag:s15] =	ssyncadd.s32 $0xFFFFC180  }
0x138: {  	[tilespmem:s19], [sflag:$0x1] =	stream.indirect.gather [hbm4b:s1+s18], $0x80, s10, s18, $0xb8;
	[tilespmem:$0x1D000] =	vst v63  }
0x139: {  	s11 =	simm.s32 $0x14780  }
0x13a: {  	[tilespmem:s21], [sflag:$0x2] =	stream.indirect.gather [hbm4b:s1+s18], $0x80, s11, s18, $0xb8;
	[tilespmem:$0x1D000] =	vst v63  }
0x13b: {  	_ =	swait.ge [sflag:s22], $0x3E80  }
0x13c: {  	[sflag:s22] =	ssyncset.done $0x0  }
0x13d: {  	s14 =	simm.s32 $0x14F00;
	[sflag:s22] =	ssyncadd.s32 $0xFFFFC180  }
0x13e: {  	[spmem:s3] =	stream.indirect.scatter.add.f32 [tilespmem:s19], [sflag:$0x3], $0x80, s14, s18, $0xb8;
	[tilespmem:$0x1D000] =	vst v63  }
0x13f: {  	_ =	swait.ge [sflag:s15], $0x3E80  }
0x140: {  	[sflag:s15] =	ssyncset.done $0x0  }
0x141: {  	[sflag:s15] =	ssyncadd.s32 $0xFFFFC180  }
0x142: {  	_ =	swait.ge [sflag:s23], $0x3E80  }
0x143: {  	[sflag:s23] =	ssyncset.done $0x0  }
0x144: {  	s20 =	simm.s32 $0x14F80;
	[sflag:s23] =	ssyncadd.s32 $0xFFFFC180  }
0x145: {  	[spmem:s3] =	stream.indirect.scatter.add.f32 [tilespmem:s21], [sflag:$0x3], $0x80, s20, s18, $0xb8;
	[tilespmem:$0x1D000] =	vst v63  }
0x146: {  	_ =	swait.ge [sflag:s15], $0x3E80  }
0x147: {  	s10 =	simm.s32 $0x100;
	s11 =	simm.s32 $0x200;
	[sflag:s15] =	ssyncset.done $0x0  }
.LBB2_3:
0x148: {  	s14 =	sadd.s32 s10, s13  }
0x149: {  	[sflag:s15] =	ssyncadd.s32 $0xFFFFC180;
	s20 =	smov.u32 s11;
	s9 =	sadd.s32 $0x100, s11  }
0x14a: {  	[tilespmem:s16], [sflag:$0x3] =	stream.linear.gather [hbm4b:s14+s5], $0x800, $0x38;
	[tilespmem:$0x1D000] =	vst v63  }
0x14b: {  	s14 =	simm.s32 $0x14080  }
0x14c: {  	p1 =	seq.s32 s11, $0x900;
	_ =	swait.ge [sflag:s15], $0x800  }
0x14d: {  	s11 =	sadd.s32 s10, s12;
	[sflag:s15] =	ssyncset.done $0x0  }
0x14e: {  	s10 =	smov.u32 s20;
	s20 =	simm.s32 $0x14880;
	[sflag:s15] =	ssyncadd.s32 $0xFFFFF800  }
0x14f: {  	[tilespmem:s17], [sflag:$0x3] =	stream.linear.gather [hbm4b:s11+s5], $0x800, $0x38;
	[tilespmem:$0x1D000] =	vst v63  }
0x150: {  	_ =	swait.ge [sflag:s15], $0x800  }
0x151: {  	[sflag:s15] =	ssyncset.done $0x0  }
0x152: {  	[sflag:s15] =	ssyncadd.s32 $0xFFFFF800  }
0x153: {  	[tilespmem:s19], [sflag:$0x1] =	stream.indirect.gather [hbm4b:s1+s18], $0x80, s16, s18, $0xb8;
	[tilespmem:$0x1D000] =	vst v63  }
0x154: {  	_ = 	snop  }
0x155: {  	[tilespmem:s21], [sflag:$0x2] =	stream.indirect.gather [hbm4b:s1+s18], $0x80, s14, s18, $0xb8;
	[tilespmem:$0x1D000] =	vst v63  }
0x156: {  	_ =	swait.ge [sflag:s22], $0x3E80  }
0x157: {  	[sflag:s22] =	ssyncset.done $0x0  }
0x158: {  	[sflag:s22] =	ssyncadd.s32 $0xFFFFC180  }
0x159: {  	[spmem:s3] =	stream.indirect.scatter.add.f32 [tilespmem:s19], [sflag:$0x3], $0x80, s17, s18, $0xb8;
	[tilespmem:$0x1D000] =	vst v63  }
0x15a: {  	_ =	swait.ge [sflag:s15], $0x3E80  }
0x15b: {  	[sflag:s15] =	ssyncset.done $0x0  }
0x15c: {  	[sflag:s15] =	ssyncadd.s32 $0xFFFFC180  }
0x15d: {  	_ =	swait.ge [sflag:s23], $0x3E80  }
0x15e: {  	[sflag:s23] =	ssyncset.done $0x0  }
0x15f: {  	[sflag:s23] =	ssyncadd.s32 $0xFFFFC180  }
0x160: {  	[spmem:s3] =	stream.indirect.scatter.add.f32 [tilespmem:s21], [sflag:$0x3], $0x80, s20, s18, $0xb8;
	[tilespmem:$0x1D000] =	vst v63  }
0x161: {  	_ =	swait.ge [sflag:s15], $0x3E80  }
0x162: {  	[sflag:s15] =	ssyncset.done $0x0  }
0x163: {  	[sflag:s15] =	ssyncadd.s32 $0xFFFFC180  }
0x164: {  	[tilespmem:s19], [sflag:$0x1] =	stream.indirect.gather [hbm4b:s1+s18], $0x80, s24, s18, $0xb8;
	[tilespmem:$0x1D000] =	vst v63  }
0x165: {  	_ = 	snop  }
0x166: {  	[tilespmem:s21], [sflag:$0x2] =	stream.indirect.gather [hbm4b:s1+s18], $0x80, s25, s18, $0xb8;
	[tilespmem:$0x1D000] =	vst v63  }
0x167: {  	_ =	swait.ge [sflag:s22], $0x3E80  }
0x168: {  	[sflag:s22] =	ssyncset.done $0x0  }
0x169: {  	[sflag:s22] =	ssyncadd.s32 $0xFFFFC180  }
0x16a: {  	[spmem:s3] =	stream.indirect.scatter.add.f32 [tilespmem:s19], [sflag:$0x3], $0x80, s26, s18, $0xb8;
	[tilespmem:$0x1D000] =	vst v63  }
0x16b: {  	_ =	swait.ge [sflag:s15], $0x3E80  }
0x16c: {  	[sflag:s15] =	ssyncset.done $0x0  }
0x16d: {  	[sflag:s15] =	ssyncadd.s32 $0xFFFFC180  }
0x16e: {  	_ =	swait.ge [sflag:s23], $0x3E80  }
0x16f: {  	[sflag:s23] =	ssyncset.done $0x0  }
0x170: {  	[sflag:s23] =	ssyncadd.s32 $0xFFFFC180  }
0x171: {  	[spmem:s3] =	stream.indirect.scatter.add.f32 [tilespmem:s21], [sflag:$0x3], $0x80, s28, s18, $0xb8;
	[tilespmem:$0x1D000] =	vst v63  }
0x172: {  	_ =	swait.ge [sflag:s15], $0x3E80  }
0x173: {  	[sflag:s15] =	ssyncset.done $0x0  }
0x174: {  	[sflag:s15] =	ssyncadd.s32 $0xFFFFC180  }
0x175: {  	[tilespmem:s19], [sflag:$0x1] =	stream.indirect.gather [hbm4b:s1+s18], $0x80, s29, s18, $0xb8;
	[tilespmem:$0x1D000] =	vst v63  }
0x176: {  	_ = 	snop  }
0x177: {  	[tilespmem:s21], [sflag:$0x2] =	stream.indirect.gather [hbm4b:s1+s18], $0x80, s30, s18, $0xb8;
	[tilespmem:$0x1D000] =	vst v63  }
0x178: {  	_ =	swait.ge [sflag:s22], $0x3E80  }
0x179: {  	[sflag:s22] =	ssyncset.done $0x0  }
0x17a: {  	[sflag:s22] =	ssyncadd.s32 $0xFFFFC180  }
0x17b: {  	[spmem:s3] =	stream.indirect.scatter.add.f32 [tilespmem:s19], [sflag:$0x3], $0x80, s31, s18, $0xb8;
	[tilespmem:$0x1D000] =	vst v63  }
0x17c: {  	_ =	swait.ge [sflag:s15], $0x3E80  }
0x17d: {  	[sflag:s15] =	ssyncset.done $0x0  }
0x17e: {  	[sflag:s15] =	ssyncadd.s32 $0xFFFFC180  }
0x17f: {  	_ =	swait.ge [sflag:s23], $0x3E80  }
0x180: {  	[sflag:s23] =	ssyncset.done $0x0  }
0x181: {  	[sflag:s23] =	ssyncadd.s32 $0xFFFFC180  }
0x182: {  	[spmem:s3] =	stream.indirect.scatter.add.f32 [tilespmem:s21], [sflag:$0x3], $0x80, s0, s18, $0xb8;
	[tilespmem:$0x1D000] =	vst v63  }
0x183: {  	_ =	swait.ge [sflag:s15], $0x3E80  }
0x184: {  	[sflag:s15] =	ssyncset.done $0x0  }
0x185: {  	[sflag:s15] =	ssyncadd.s32 $0xFFFFC180  }
0x186: {  	[tilespmem:s19], [sflag:$0x1] =	stream.indirect.gather [hbm4b:s1+s18], $0x80, s4, s18, $0xb8;
	[tilespmem:$0x1D000] =	vst v63  }
0x187: {  	_ = 	snop  }
0x188: {  	[tilespmem:s21], [sflag:$0x2] =	stream.indirect.gather [hbm4b:s1+s18], $0x80, s7, s18, $0xb8;
	[tilespmem:$0x1D000] =	vst v63  }
0x189: {  	_ =	swait.ge [sflag:s22], $0x3E80  }
0x18a: {  	[sflag:s22] =	ssyncset.done $0x0  }
0x18b: {  	[sflag:s22] =	ssyncadd.s32 $0xFFFFC180  }
0x18c: {  	[spmem:s3] =	stream.indirect.scatter.add.f32 [tilespmem:s19], [sflag:$0x3], $0x80, s8, s18, $0xb8;
	[tilespmem:$0x1D000] =	vst v63  }
0x18d: {  	_ =	swait.ge [sflag:s15], $0x3E80  }
0x18e: {  	[sflag:s15] =	ssyncset.done $0x0  }
0x18f: {  	[sflag:s15] =	ssyncadd.s32 $0xFFFFC180  }
0x190: {  	_ =	swait.ge [sflag:s23], $0x3E80  }
0x191: {  	[sflag:s23] =	ssyncset.done $0x0  }
0x192: {  	[sflag:s23] =	ssyncadd.s32 $0xFFFFC180  }
0x193: {  	[spmem:s3] =	stream.indirect.scatter.add.f32 [tilespmem:s21], [sflag:$0x3], $0x80, s6, s18, $0xb8;
	[tilespmem:$0x1D000] =	vst v63  }
0x194: {  	_ =	swait.ge [sflag:s15], $0x3E80  }
0x195: {  	[sflag:s15] =	ssyncset.done $0x0  }
0x196: {  	s11 =	simm.s32 $0x14400;
	[sflag:s15] =	ssyncadd.s32 $0xFFFFC180  }
0x197: {  	[tilespmem:s19], [sflag:$0x1] =	stream.indirect.gather [hbm4b:s1+s18], $0x80, s11, s18, $0xb8;
	[tilespmem:$0x1D000] =	vst v63  }
0x198: {  	s11 =	simm.s32 $0x14480  }
0x199: {  	[tilespmem:s21], [sflag:$0x2] =	stream.indirect.gather [hbm4b:s1+s18], $0x80, s11, s18, $0xb8;
	[tilespmem:$0x1D000] =	vst v63  }
0x19a: {  	_ =	swait.ge [sflag:s22], $0x3E80  }
0x19b: {  	[sflag:s22] =	ssyncset.done $0x0  }
0x19c: {  	s11 =	simm.s32 $0x14C00;
	[sflag:s22] =	ssyncadd.s32 $0xFFFFC180  }
0x19d: {  	[spmem:s3] =	stream.indirect.scatter.add.f32 [tilespmem:s19], [sflag:$0x3], $0x80, s11, s18, $0xb8;
	[tilespmem:$0x1D000] =	vst v63  }
0x19e: {  	_ =	swait.ge [sflag:s15], $0x3E80  }
0x19f: {  	[sflag:s15] =	ssyncset.done $0x0  }
0x1a0: {  	[sflag:s15] =	ssyncadd.s32 $0xFFFFC180  }
0x1a1: {  	_ =	swait.ge [sflag:s23], $0x3E80  }
0x1a2: {  	[sflag:s23] =	ssyncset.done $0x0  }
0x1a3: {  	s11 =	simm.s32 $0x14C80;
	[sflag:s23] =	ssyncadd.s32 $0xFFFFC180  }
0x1a4: {  	[spmem:s3] =	stream.indirect.scatter.add.f32 [tilespmem:s21], [sflag:$0x3], $0x80, s11, s18, $0xb8;
	[tilespmem:$0x1D000] =	vst v63  }
0x1a5: {  	_ =	swait.ge [sflag:s15], $0x3E80  }
0x1a6: {  	[sflag:s15] =	ssyncset.done $0x0  }
0x1a7: {  	s11 =	simm.s32 $0x14500;
	[sflag:s15] =	ssyncadd.s32 $0xFFFFC180  }
0x1a8: {  	[tilespmem:s19], [sflag:$0x1] =	stream.indirect.gather [hbm4b:s1+s18], $0x80, s11, s18, $0xb8;
	[tilespmem:$0x1D000] =	vst v63  }
0x1a9: {  	s11 =	simm.s32 $0x14580  }
0x1aa: {  	[tilespmem:s21], [sflag:$0x2] =	stream.indirect.gather [hbm4b:s1+s18], $0x80, s11, s18, $0xb8;
	[tilespmem:$0x1D000] =	vst v63  }
0x1ab: {  	_ =	swait.ge [sflag:s22], $0x3E80  }
0x1ac: {  	[sflag:s22] =	ssyncset.done $0x0  }
0x1ad: {  	s11 =	simm.s32 $0x14D00;
	[sflag:s22] =	ssyncadd.s32 $0xFFFFC180  }
0x1ae: {  	[spmem:s3] =	stream.indirect.scatter.add.f32 [tilespmem:s19], [sflag:$0x3], $0x80, s11, s18, $0xb8;
	[tilespmem:$0x1D000] =	vst v63  }
0x1af: {  	_ =	swait.ge [sflag:s15], $0x3E80  }
0x1b0: {  	[sflag:s15] =	ssyncset.done $0x0  }
0x1b1: {  	[sflag:s15] =	ssyncadd.s32 $0xFFFFC180  }
0x1b2: {  	_ =	swait.ge [sflag:s23], $0x3E80  }
0x1b3: {  	[sflag:s23] =	ssyncset.done $0x0  }
0x1b4: {  	s11 =	simm.s32 $0x14D80;
	[sflag:s23] =	ssyncadd.s32 $0xFFFFC180  }
0x1b5: {  	[spmem:s3] =	stream.indirect.scatter.add.f32 [tilespmem:s21], [sflag:$0x3], $0x80, s11, s18, $0xb8;
	[tilespmem:$0x1D000] =	vst v63  }
0x1b6: {  	_ =	swait.ge [sflag:s15], $0x3E80  }
0x1b7: {  	[sflag:s15] =	ssyncset.done $0x0  }
0x1b8: {  	s11 =	simm.s32 $0x14600;
	[sflag:s15] =	ssyncadd.s32 $0xFFFFC180  }
0x1b9: {  	[tilespmem:s19], [sflag:$0x1] =	stream.indirect.gather [hbm4b:s1+s18], $0x80, s11, s18, $0xb8;
	[tilespmem:$0x1D000] =	vst v63  }
0x1ba: {  	s11 =	simm.s32 $0x14680  }
0x1bb: {  	[tilespmem:s21], [sflag:$0x2] =	stream.indirect.gather [hbm4b:s1+s18], $0x80, s11, s18, $0xb8;
	[tilespmem:$0x1D000] =	vst v63  }
0x1bc: {  	_ =	swait.ge [sflag:s22], $0x3E80  }
0x1bd: {  	[sflag:s22] =	ssyncset.done $0x0  }
0x1be: {  	s11 =	simm.s32 $0x14E00;
	[sflag:s22] =	ssyncadd.s32 $0xFFFFC180  }
0x1bf: {  	[spmem:s3] =	stream.indirect.scatter.add.f32 [tilespmem:s19], [sflag:$0x3], $0x80, s11, s18, $0xb8;
	[tilespmem:$0x1D000] =	vst v63  }
0x1c0: {  	_ =	swait.ge [sflag:s15], $0x3E80  }
0x1c1: {  	[sflag:s15] =	ssyncset.done $0x0  }
0x1c2: {  	[sflag:s15] =	ssyncadd.s32 $0xFFFFC180  }
0x1c3: {  	_ =	swait.ge [sflag:s23], $0x3E80  }
0x1c4: {  	[sflag:s23] =	ssyncset.done $0x0  }
0x1c5: {  	s11 =	simm.s32 $0x14E80;
	[sflag:s23] =	ssyncadd.s32 $0xFFFFC180  }
0x1c6: {  	[spmem:s3] =	stream.indirect.scatter.add.f32 [tilespmem:s21], [sflag:$0x3], $0x80, s11, s18, $0xb8;
	[tilespmem:$0x1D000] =	vst v63  }
0x1c7: {  	_ =	swait.ge [sflag:s15], $0x3E80  }
0x1c8: {  	[sflag:s15] =	ssyncset.done $0x0  }
0x1c9: {  	s11 =	simm.s32 $0x14700;
	[sflag:s15] =	ssyncadd.s32 $0xFFFFC180  }
0x1ca: {  	[tilespmem:s19], [sflag:$0x1] =	stream.indirect.gather [hbm4b:s1+s18], $0x80, s11, s18, $0xb8;
	[tilespmem:$0x1D000] =	vst v63  }
0x1cb: {  	s11 =	simm.s32 $0x14780  }
0x1cc: {  	[tilespmem:s21], [sflag:$0x2] =	stream.indirect.gather [hbm4b:s1+s18], $0x80, s11, s18, $0xb8;
	[tilespmem:$0x1D000] =	vst v63  }
0x1cd: {  	_ =	swait.ge [sflag:s22], $0x3E80  }
0x1ce: {  	[sflag:s22] =	ssyncset.done $0x0  }
0x1cf: {  	s11 =	simm.s32 $0x14F00;
	[sflag:s22] =	ssyncadd.s32 $0xFFFFC180  }
0x1d0: {  	[spmem:s3] =	stream.indirect.scatter.add.f32 [tilespmem:s19], [sflag:$0x3], $0x80, s11, s18, $0xb8;
	[tilespmem:$0x1D000] =	vst v63  }
0x1d1: {  	_ =	swait.ge [sflag:s15], $0x3E80  }
0x1d2: {  	[sflag:s15] =	ssyncset.done $0x0  }
0x1d3: {  	[sflag:s15] =	ssyncadd.s32 $0xFFFFC180  }
0x1d4: {  	_ =	swait.ge [sflag:s23], $0x3E80  }
.Ltmp3:
0x1d5: {  	[sflag:s23] =	ssyncset.done $0x0;
	(pc) =	sbr.rel @!p1 .LBB2_3-.Ltmp3, $4  }
0x1d6: {  	s11 =	simm.s32 $0x14F80;
	[sflag:s23] =	ssyncadd.s32 $0xFFFFC180  }
0x1d7: {  	[spmem:s3] =	stream.indirect.scatter.add.f32 [tilespmem:s21], [sflag:$0x3], $0x80, s11, s18, $0xb8;
	[tilespmem:$0x1D000] =	vst v63  }
0x1d8: {  	_ =	swait.ge [sflag:s15], $0x3E80  }
0x1d9: {  	s11 =	smov.u32 s9;
	[sflag:s15] =	ssyncset.done $0x0  }
0x1da: {  	s9 =	sadd.s32 s10, s13;
	[sflag:s15] =	ssyncadd.s32 $0xFFFFC180  }
0x1db: {  	[tilespmem:s16], [sflag:$0x3] =	stream.linear.gather [hbm4b:s9+s5], $0x800, $0x38;
	[tilespmem:$0x1D000] =	vst v63  }
0x1dc: {  	_ =	swait.ge [sflag:s15], $0x800  }
0x1dd: {  	[sflag:s15] =	ssyncset.done $0x0  }
0x1de: {  	s11 =	sadd.s32 s10, s12;
	[sflag:s15] =	ssyncadd.s32 $0xFFFFF800  }
0x1df: {  	[tilespmem:s17], [sflag:$0x3] =	stream.linear.gather [hbm4b:s11+s5], $0x800, $0x38;
	[tilespmem:$0x1D000] =	vst v63  }
0x1e0: {  	_ =	swait.ge [sflag:s15], $0x800  }
0x1e1: {  	[sflag:s15] =	ssyncset.done $0x0  }
0x1e2: {  	[sflag:s15] =	ssyncadd.s32 $0xFFFFF800  }
0x1e3: {  	[tilespmem:s19], [sflag:$0x1] =	stream.indirect.gather [hbm4b:s1+s18], $0x80, s16, s18, $0xb8;
	[tilespmem:$0x1D000] =	vst v63  }
0x1e4: {  	_ = 	snop  }
0x1e5: {  	[tilespmem:s21], [sflag:$0x2] =	stream.indirect.gather [hbm4b:s1+s18], $0x80, s14, s18, $0xb8;
	[tilespmem:$0x1D000] =	vst v63  }
0x1e6: {  	_ =	swait.ge [sflag:s22], $0x3E80  }
0x1e7: {  	[sflag:s22] =	ssyncset.done $0x0  }
0x1e8: {  	[sflag:s22] =	ssyncadd.s32 $0xFFFFC180  }
0x1e9: {  	[spmem:s3] =	stream.indirect.scatter.add.f32 [tilespmem:s19], [sflag:$0x3], $0x80, s17, s18, $0xb8;
	[tilespmem:$0x1D000] =	vst v63  }
0x1ea: {  	_ =	swait.ge [sflag:s15], $0x3E80  }
0x1eb: {  	[sflag:s15] =	ssyncset.done $0x0  }
0x1ec: {  	[sflag:s15] =	ssyncadd.s32 $0xFFFFC180  }
0x1ed: {  	_ =	swait.ge [sflag:s23], $0x3E80  }
0x1ee: {  	[sflag:s23] =	ssyncset.done $0x0  }
0x1ef: {  	[sflag:s23] =	ssyncadd.s32 $0xFFFFC180  }
0x1f0: {  	[spmem:s3] =	stream.indirect.scatter.add.f32 [tilespmem:s21], [sflag:$0x3], $0x80, s20, s18, $0xb8;
	[tilespmem:$0x1D000] =	vst v63  }
0x1f1: {  	_ =	swait.ge [sflag:s15], $0x3E80  }
0x1f2: {  	[sflag:s15] =	ssyncset.done $0x0  }
0x1f3: {  	[sflag:s15] =	ssyncadd.s32 $0xFFFFC180  }
0x1f4: {  	[tilespmem:s19], [sflag:$0x1] =	stream.indirect.gather [hbm4b:s1+s18], $0x80, s24, s18, $0xb8;
	[tilespmem:$0x1D000] =	vst v63  }
0x1f5: {  	_ = 	snop  }
0x1f6: {  	[tilespmem:s21], [sflag:$0x2] =	stream.indirect.gather [hbm4b:s1+s18], $0x80, s25, s18, $0xb8;
	[tilespmem:$0x1D000] =	vst v63  }
0x1f7: {  	_ =	swait.ge [sflag:s22], $0x3E80  }
0x1f8: {  	[sflag:s22] =	ssyncset.done $0x0  }
0x1f9: {  	[sflag:s22] =	ssyncadd.s32 $0xFFFFC180  }
0x1fa: {  	[spmem:s3] =	stream.indirect.scatter.add.f32 [tilespmem:s19], [sflag:$0x3], $0x80, s26, s18, $0xb8;
	[tilespmem:$0x1D000] =	vst v63  }
0x1fb: {  	_ =	swait.ge [sflag:s15], $0x3E80  }
0x1fc: {  	[sflag:s15] =	ssyncset.done $0x0  }
0x1fd: {  	[sflag:s15] =	ssyncadd.s32 $0xFFFFC180  }
0x1fe: {  	_ =	swait.ge [sflag:s23], $0x3E80  }
0x1ff: {  	[sflag:s23] =	ssyncset.done $0x0  }
0x200: {  	[sflag:s23] =	ssyncadd.s32 $0xFFFFC180  }
0x201: {  	[spmem:s3] =	stream.indirect.scatter.add.f32 [tilespmem:s21], [sflag:$0x3], $0x80, s28, s18, $0xb8;
	[tilespmem:$0x1D000] =	vst v63  }
0x202: {  	_ =	swait.ge [sflag:s15], $0x3E80  }
0x203: {  	[sflag:s15] =	ssyncset.done $0x0  }
0x204: {  	[sflag:s15] =	ssyncadd.s32 $0xFFFFC180  }
0x205: {  	[tilespmem:s19], [sflag:$0x1] =	stream.indirect.gather [hbm4b:s1+s18], $0x80, s29, s18, $0xb8;
	[tilespmem:$0x1D000] =	vst v63  }
0x206: {  	_ = 	snop  }
0x207: {  	[tilespmem:s21], [sflag:$0x2] =	stream.indirect.gather [hbm4b:s1+s18], $0x80, s30, s18, $0xb8;
	[tilespmem:$0x1D000] =	vst v63  }
0x208: {  	_ =	swait.ge [sflag:s22], $0x3E80  }
0x209: {  	[sflag:s22] =	ssyncset.done $0x0  }
0x20a: {  	[sflag:s22] =	ssyncadd.s32 $0xFFFFC180  }
0x20b: {  	[spmem:s3] =	stream.indirect.scatter.add.f32 [tilespmem:s19], [sflag:$0x3], $0x80, s31, s18, $0xb8;
	[tilespmem:$0x1D000] =	vst v63  }
0x20c: {  	_ =	swait.ge [sflag:s15], $0x3E80  }
0x20d: {  	[sflag:s15] =	ssyncset.done $0x0  }
0x20e: {  	[sflag:s15] =	ssyncadd.s32 $0xFFFFC180  }
0x20f: {  	_ =	swait.ge [sflag:s23], $0x3E80  }
0x210: {  	[sflag:s23] =	ssyncset.done $0x0  }
0x211: {  	[sflag:s23] =	ssyncadd.s32 $0xFFFFC180  }
0x212: {  	[spmem:s3] =	stream.indirect.scatter.add.f32 [tilespmem:s21], [sflag:$0x3], $0x80, s0, s18, $0xb8;
	[tilespmem:$0x1D000] =	vst v63  }
0x213: {  	_ =	swait.ge [sflag:s15], $0x3E80  }
0x214: {  	[sflag:s15] =	ssyncset.done $0x0  }
0x215: {  	[sflag:s15] =	ssyncadd.s32 $0xFFFFC180  }
0x216: {  	[tilespmem:s19], [sflag:$0x1] =	stream.indirect.gather [hbm4b:s1+s18], $0x80, s4, s18, $0xb8;
	[tilespmem:$0x1D000] =	vst v63  }
0x217: {  	_ = 	snop  }
0x218: {  	[tilespmem:s21], [sflag:$0x2] =	stream.indirect.gather [hbm4b:s1+s18], $0x80, s7, s18, $0xb8;
	[tilespmem:$0x1D000] =	vst v63  }
0x219: {  	_ =	swait.ge [sflag:s22], $0x3E80  }
0x21a: {  	[sflag:s22] =	ssyncset.done $0x0  }
0x21b: {  	[sflag:s22] =	ssyncadd.s32 $0xFFFFC180  }
0x21c: {  	[spmem:s3] =	stream.indirect.scatter.add.f32 [tilespmem:s19], [sflag:$0x3], $0x80, s8, s18, $0xb8;
	[tilespmem:$0x1D000] =	vst v63  }
0x21d: {  	_ =	swait.ge [sflag:s15], $0x3E80  }
0x21e: {  	[sflag:s15] =	ssyncset.done $0x0  }
0x21f: {  	[sflag:s15] =	ssyncadd.s32 $0xFFFFC180  }
0x220: {  	_ =	swait.ge [sflag:s23], $0x3E80  }
0x221: {  	[sflag:s23] =	ssyncset.done $0x0  }
0x222: {  	[sflag:s23] =	ssyncadd.s32 $0xFFFFC180  }
0x223: {  	[spmem:s3] =	stream.indirect.scatter.add.f32 [tilespmem:s21], [sflag:$0x3], $0x80, s6, s18, $0xb8;
	[tilespmem:$0x1D000] =	vst v63  }
0x224: {  	_ =	swait.ge [sflag:s15], $0x3E80  }
0x225: {  	[sflag:s15] =	ssyncset.done $0x0  }
0x226: {  	s30 =	simm.s32 $0x14400;
	[sflag:s15] =	ssyncadd.s32 $0xFFFFC180  }
0x227: {  	[tilespmem:s19], [sflag:$0x1] =	stream.indirect.gather [hbm4b:s1+s18], $0x80, s30, s18, $0xb8;
	[tilespmem:$0x1D000] =	vst v63  }
0x228: {  	s31 =	simm.s32 $0x14480  }
0x229: {  	[tilespmem:s21], [sflag:$0x2] =	stream.indirect.gather [hbm4b:s1+s18], $0x80, s31, s18, $0xb8;
	[tilespmem:$0x1D000] =	vst v63  }
0x22a: {  	_ =	swait.ge [sflag:s22], $0x3E80  }
0x22b: {  	[sflag:s22] =	ssyncset.done $0x0  }
0x22c: {  	s4 =	simm.s32 $0x14C00;
	[sflag:s22] =	ssyncadd.s32 $0xFFFFC180  }
0x22d: {  	[spmem:s3] =	stream.indirect.scatter.add.f32 [tilespmem:s19], [sflag:$0x3], $0x80, s4, s18, $0xb8;
	[tilespmem:$0x1D000] =	vst v63  }
0x22e: {  	_ =	swait.ge [sflag:s15], $0x3E80  }
0x22f: {  	[sflag:s15] =	ssyncset.done $0x0  }
0x230: {  	[sflag:s15] =	ssyncadd.s32 $0xFFFFC180  }
0x231: {  	_ =	swait.ge [sflag:s23], $0x3E80  }
0x232: {  	[sflag:s23] =	ssyncset.done $0x0  }
0x233: {  	s6 =	simm.s32 $0x14C80;
	[sflag:s23] =	ssyncadd.s32 $0xFFFFC180  }
0x234: {  	[spmem:s3] =	stream.indirect.scatter.add.f32 [tilespmem:s21], [sflag:$0x3], $0x80, s6, s18, $0xb8;
	[tilespmem:$0x1D000] =	vst v63  }
0x235: {  	_ =	swait.ge [sflag:s15], $0x3E80  }
0x236: {  	[sflag:s15] =	ssyncset.done $0x0  }
0x237: {  	s7 =	simm.s32 $0x14500;
	[sflag:s15] =	ssyncadd.s32 $0xFFFFC180  }
0x238: {  	[tilespmem:s19], [sflag:$0x1] =	stream.indirect.gather [hbm4b:s1+s18], $0x80, s7, s18, $0xb8;
	[tilespmem:$0x1D000] =	vst v63  }
0x239: {  	s8 =	simm.s32 $0x14580  }
0x23a: {  	[tilespmem:s21], [sflag:$0x2] =	stream.indirect.gather [hbm4b:s1+s18], $0x80, s8, s18, $0xb8;
	[tilespmem:$0x1D000] =	vst v63  }
0x23b: {  	_ =	swait.ge [sflag:s22], $0x3E80  }
0x23c: {  	[sflag:s22] =	ssyncset.done $0x0  }
0x23d: {  	s9 =	simm.s32 $0x14D00;
	[sflag:s22] =	ssyncadd.s32 $0xFFFFC180  }
0x23e: {  	[spmem:s3] =	stream.indirect.scatter.add.f32 [tilespmem:s19], [sflag:$0x3], $0x80, s9, s18, $0xb8;
	[tilespmem:$0x1D000] =	vst v63  }
0x23f: {  	_ =	swait.ge [sflag:s15], $0x3E80  }
0x240: {  	[sflag:s15] =	ssyncset.done $0x0  }
0x241: {  	[sflag:s15] =	ssyncadd.s32 $0xFFFFC180  }
0x242: {  	_ =	swait.ge [sflag:s23], $0x3E80  }
0x243: {  	[sflag:s23] =	ssyncset.done $0x0  }
0x244: {  	s10 =	simm.s32 $0x14D80;
	[sflag:s23] =	ssyncadd.s32 $0xFFFFC180  }
0x245: {  	[spmem:s3] =	stream.indirect.scatter.add.f32 [tilespmem:s21], [sflag:$0x3], $0x80, s10, s18, $0xb8;
	[tilespmem:$0x1D000] =	vst v63  }
0x246: {  	_ =	swait.ge [sflag:s15], $0x3E80  }
0x247: {  	[sflag:s15] =	ssyncset.done $0x0  }
0x248: {  	s11 =	simm.s32 $0x14600;
	[sflag:s15] =	ssyncadd.s32 $0xFFFFC180  }
0x249: {  	[tilespmem:s19], [sflag:$0x1] =	stream.indirect.gather [hbm4b:s1+s18], $0x80, s11, s18, $0xb8;
	[tilespmem:$0x1D000] =	vst v63  }
0x24a: {  	s24 =	simm.s32 $0x14680  }
0x24b: {  	[tilespmem:s21], [sflag:$0x2] =	stream.indirect.gather [hbm4b:s1+s18], $0x80, s24, s18, $0xb8;
	[tilespmem:$0x1D000] =	vst v63  }
0x24c: {  	_ =	swait.ge [sflag:s22], $0x3E80  }
0x24d: {  	[sflag:s22] =	ssyncset.done $0x0  }
0x24e: {  	s25 =	simm.s32 $0x14E00;
	[sflag:s22] =	ssyncadd.s32 $0xFFFFC180  }
0x24f: {  	[spmem:s3] =	stream.indirect.scatter.add.f32 [tilespmem:s19], [sflag:$0x3], $0x80, s25, s18, $0xb8;
	[tilespmem:$0x1D000] =	vst v63  }
0x250: {  	_ =	swait.ge [sflag:s15], $0x3E80  }
0x251: {  	[sflag:s15] =	ssyncset.done $0x0  }
0x252: {  	[sflag:s15] =	ssyncadd.s32 $0xFFFFC180  }
0x253: {  	_ =	swait.ge [sflag:s23], $0x3E80  }
0x254: {  	[sflag:s23] =	ssyncset.done $0x0  }
0x255: {  	s26 =	simm.s32 $0x14E80;
	[sflag:s23] =	ssyncadd.s32 $0xFFFFC180  }
0x256: {  	[spmem:s3] =	stream.indirect.scatter.add.f32 [tilespmem:s21], [sflag:$0x3], $0x80, s26, s18, $0xb8;
	[tilespmem:$0x1D000] =	vst v63  }
0x257: {  	_ =	swait.ge [sflag:s15], $0x3E80  }
0x258: {  	[sflag:s15] =	ssyncset.done $0x0  }
0x259: {  	s28 =	simm.s32 $0x14700;
	[sflag:s15] =	ssyncadd.s32 $0xFFFFC180  }
0x25a: {  	[tilespmem:s19], [sflag:$0x1] =	stream.indirect.gather [hbm4b:s1+s18], $0x80, s28, s18, $0xb8;
	[tilespmem:$0x1D000] =	vst v63  }
0x25b: {  	s29 =	simm.s32 $0x14780  }
0x25c: {  	[tilespmem:s21], [sflag:$0x2] =	stream.indirect.gather [hbm4b:s1+s18], $0x80, s29, s18, $0xb8;
	[tilespmem:$0x1D000] =	vst v63  }
0x25d: {  	_ =	swait.ge [sflag:s22], $0x3E80  }
0x25e: {  	[sflag:s22] =	ssyncset.done $0x0  }
0x25f: {  	s30 =	simm.s32 $0x14F00;
	[sflag:s22] =	ssyncadd.s32 $0xFFFFC180  }
0x260: {  	[spmem:s3] =	stream.indirect.scatter.add.f32 [tilespmem:s19], [sflag:$0x3], $0x80, s30, s18, $0xb8;
	[tilespmem:$0x1D000] =	vst v63  }
0x261: {  	_ =	swait.ge [sflag:s15], $0x3E80  }
0x262: {  	[sflag:s15] =	ssyncset.done $0x0  }
0x263: {  	[sflag:s15] =	ssyncadd.s32 $0xFFFFC180  }
0x264: {  	_ =	swait.ge [sflag:s23], $0x3E80  }
0x265: {  	[sflag:s23] =	ssyncset.done $0x0  }
.Ltmp4:
0x266: {  	s31 =	simm.s32 $0x14F80;
	[sflag:s23] =	ssyncadd.s32 $0xFFFFC180;
	(pc) =	sbr.rel .LBB2_8-.Ltmp4, $4  }
0x267: {  	[spmem:s3] =	stream.indirect.scatter.add.f32 [tilespmem:s21], [sflag:$0x3], $0x80, s31, s18, $0xb8;
	[tilespmem:$0x1D000] =	vst v63  }
0x268: {  	_ =	swait.ge [sflag:s15], $0x3E80  }
0x269: {  	[sflag:s15] =	ssyncset.done $0x0;
	s9 =	rddreg [dreg:$0x8]  }
0x26a: {  	s0 =	rddreg [dreg:$0xe];
	[sflag:s15] =	ssyncadd.s32 $0xFFFFC180  }
.LBB2_5:
0x26b: {  	[tilespmem:s16], [sflag:$0x3] =	stream.linear.gather [hbm4b:s9+s5], $0x800, $0x38;
	[tilespmem:$0x1D000] =	vst v63  }
0x26c: {  	_ =	swait.ge [sflag:s15], $0x800  }
0x26d: {  	[sflag:s15] =	ssyncset.done $0x0  }
0x26e: {  	s8 =	sadd.s32 $0x0, s12;
	[sflag:s15] =	ssyncadd.s32 $0xFFFFF800  }
0x26f: {  	[tilespmem:s17], [sflag:$0x3] =	stream.linear.gather [hbm4b:s8+s5], $0x800, $0x38;
	[tilespmem:$0x1D000] =	vst v63  }
0x270: {  	_ =	swait.ge [sflag:s15], $0x800  }
0x271: {  	[sflag:s15] =	ssyncset.done $0x0  }
0x272: {  	[sflag:s15] =	ssyncadd.s32 $0xFFFFF800  }
0x273: {  	[tilespmem:s19], [sflag:$0x1] =	stream.indirect.gather [hbm4b:s2+s18], $0x80, s16, s18, $0xb8;
	[tilespmem:$0x1D000] =	vst v63  }
0x274: {  	_ = 	snop  }
0x275: {  	[tilespmem:s21], [sflag:$0x2] =	stream.indirect.gather [hbm4b:s2+s18], $0x80, s14, s18, $0xb8;
	[tilespmem:$0x1D000] =	vst v63  }
0x276: {  	_ =	swait.ge [sflag:s22], $0x3E80  }
0x277: {  	[sflag:s22] =	ssyncset.done $0x0  }
0x278: {  	[sflag:s22] =	ssyncadd.s32 $0xFFFFC180  }
0x279: {  	[spmem:s3] =	stream.indirect.scatter.add.f32 [tilespmem:s19], [sflag:$0x3], $0x80, s17, s18, $0xb8;
	[tilespmem:$0x1D000] =	vst v63  }
0x27a: {  	_ =	swait.ge [sflag:s15], $0x3E80  }
0x27b: {  	[sflag:s15] =	ssyncset.done $0x0  }
0x27c: {  	[sflag:s15] =	ssyncadd.s32 $0xFFFFC180  }
0x27d: {  	_ =	swait.ge [sflag:s23], $0x3E80  }
0x27e: {  	[sflag:s23] =	ssyncset.done $0x0  }
0x27f: {  	[sflag:s23] =	ssyncadd.s32 $0xFFFFC180  }
0x280: {  	[spmem:s3] =	stream.indirect.scatter.add.f32 [tilespmem:s21], [sflag:$0x3], $0x80, s20, s18, $0xb8;
	[tilespmem:$0x1D000] =	vst v63  }
0x281: {  	_ =	swait.ge [sflag:s15], $0x3E80  }
0x282: {  	[sflag:s15] =	ssyncset.done $0x0  }
0x283: {  	s24 =	simm.s32 $0x14100;
	[sflag:s15] =	ssyncadd.s32 $0xFFFFC180  }
0x284: {  	[tilespmem:s19], [sflag:$0x1] =	stream.indirect.gather [hbm4b:s2+s18], $0x80, s24, s18, $0xb8;
	[tilespmem:$0x1D000] =	vst v63  }
0x285: {  	s25 =	simm.s32 $0x14180  }
0x286: {  	[tilespmem:s21], [sflag:$0x2] =	stream.indirect.gather [hbm4b:s2+s18], $0x80, s25, s18, $0xb8;
	[tilespmem:$0x1D000] =	vst v63  }
0x287: {  	_ =	swait.ge [sflag:s22], $0x3E80  }
0x288: {  	[sflag:s22] =	ssyncset.done $0x0  }
0x289: {  	s26 =	simm.s32 $0x14900;
	[sflag:s22] =	ssyncadd.s32 $0xFFFFC180  }
0x28a: {  	[spmem:s3] =	stream.indirect.scatter.add.f32 [tilespmem:s19], [sflag:$0x3], $0x80, s26, s18, $0xb8;
	[tilespmem:$0x1D000] =	vst v63  }
0x28b: {  	_ =	swait.ge [sflag:s15], $0x3E80  }
0x28c: {  	[sflag:s15] =	ssyncset.done $0x0  }
0x28d: {  	[sflag:s15] =	ssyncadd.s32 $0xFFFFC180  }
0x28e: {  	_ =	swait.ge [sflag:s23], $0x3E80  }
0x28f: {  	[sflag:s23] =	ssyncset.done $0x0  }
0x290: {  	s28 =	simm.s32 $0x14980;
	[sflag:s23] =	ssyncadd.s32 $0xFFFFC180  }
0x291: {  	[spmem:s3] =	stream.indirect.scatter.add.f32 [tilespmem:s21], [sflag:$0x3], $0x80, s28, s18, $0xb8;
	[tilespmem:$0x1D000] =	vst v63  }
0x292: {  	_ =	swait.ge [sflag:s15], $0x3E80  }
0x293: {  	[sflag:s15] =	ssyncset.done $0x0  }
0x294: {  	s29 =	simm.s32 $0x14200;
	[sflag:s15] =	ssyncadd.s32 $0xFFFFC180  }
0x295: {  	[tilespmem:s19], [sflag:$0x1] =	stream.indirect.gather [hbm4b:s2+s18], $0x80, s29, s18, $0xb8;
	[tilespmem:$0x1D000] =	vst v63  }
0x296: {  	s30 =	simm.s32 $0x14280  }
0x297: {  	[tilespmem:s21], [sflag:$0x2] =	stream.indirect.gather [hbm4b:s2+s18], $0x80, s30, s18, $0xb8;
	[tilespmem:$0x1D000] =	vst v63  }
0x298: {  	_ =	swait.ge [sflag:s22], $0x3E80  }
0x299: {  	[sflag:s22] =	ssyncset.done $0x0  }
0x29a: {  	s31 =	simm.s32 $0x14A00;
	[sflag:s22] =	ssyncadd.s32 $0xFFFFC180  }
0x29b: {  	[spmem:s3] =	stream.indirect.scatter.add.f32 [tilespmem:s19], [sflag:$0x3], $0x80, s31, s18, $0xb8;
	[tilespmem:$0x1D000] =	vst v63  }
0x29c: {  	_ =	swait.ge [sflag:s15], $0x3E80  }
0x29d: {  	[sflag:s15] =	ssyncset.done $0x0  }
0x29e: {  	[sflag:s15] =	ssyncadd.s32 $0xFFFFC180  }
0x29f: {  	_ =	swait.ge [sflag:s23], $0x3E80  }
0x2a0: {  	[sflag:s23] =	ssyncset.done $0x0  }
0x2a1: {  	s0 =	simm.s32 $0x14A80;
	[sflag:s23] =	ssyncadd.s32 $0xFFFFC180  }
0x2a2: {  	[spmem:s3] =	stream.indirect.scatter.add.f32 [tilespmem:s21], [sflag:$0x3], $0x80, s0, s18, $0xb8;
	[tilespmem:$0x1D000] =	vst v63  }
0x2a3: {  	_ =	swait.ge [sflag:s15], $0x3E80  }
0x2a4: {  	[sflag:s15] =	ssyncset.done $0x0  }
0x2a5: {  	s4 =	simm.s32 $0x14300;
	[sflag:s15] =	ssyncadd.s32 $0xFFFFC180  }
0x2a6: {  	[tilespmem:s19], [sflag:$0x1] =	stream.indirect.gather [hbm4b:s2+s18], $0x80, s4, s18, $0xb8;
	[tilespmem:$0x1D000] =	vst v63  }
0x2a7: {  	s7 =	simm.s32 $0x14380  }
0x2a8: {  	[tilespmem:s21], [sflag:$0x2] =	stream.indirect.gather [hbm4b:s2+s18], $0x80, s7, s18, $0xb8;
	[tilespmem:$0x1D000] =	vst v63  }
0x2a9: {  	_ =	swait.ge [sflag:s22], $0x3E80  }
0x2aa: {  	[sflag:s22] =	ssyncset.done $0x0  }
0x2ab: {  	s8 =	simm.s32 $0x14B00;
	[sflag:s22] =	ssyncadd.s32 $0xFFFFC180  }
0x2ac: {  	[spmem:s3] =	stream.indirect.scatter.add.f32 [tilespmem:s19], [sflag:$0x3], $0x80, s8, s18, $0xb8;
	[tilespmem:$0x1D000] =	vst v63  }
0x2ad: {  	_ =	swait.ge [sflag:s15], $0x3E80  }
0x2ae: {  	[sflag:s15] =	ssyncset.done $0x0  }
0x2af: {  	[sflag:s15] =	ssyncadd.s32 $0xFFFFC180  }
0x2b0: {  	_ =	swait.ge [sflag:s23], $0x3E80  }
0x2b1: {  	[sflag:s23] =	ssyncset.done $0x0  }
0x2b2: {  	s6 =	simm.s32 $0x14B80;
	[sflag:s23] =	ssyncadd.s32 $0xFFFFC180  }
0x2b3: {  	[spmem:s3] =	stream.indirect.scatter.add.f32 [tilespmem:s21], [sflag:$0x3], $0x80, s6, s18, $0xb8;
	[tilespmem:$0x1D000] =	vst v63  }
0x2b4: {  	_ =	swait.ge [sflag:s15], $0x3E80  }
0x2b5: {  	[sflag:s15] =	ssyncset.done $0x0  }
0x2b6: {  	s10 =	simm.s32 $0x14400;
	[sflag:s15] =	ssyncadd.s32 $0xFFFFC180  }
0x2b7: {  	[tilespmem:s19], [sflag:$0x1] =	stream.indirect.gather [hbm4b:s2+s18], $0x80, s10, s18, $0xb8;
	[tilespmem:$0x1D000] =	vst v63  }
0x2b8: {  	s11 =	simm.s32 $0x14480  }
0x2b9: {  	[tilespmem:s21], [sflag:$0x2] =	stream.indirect.gather [hbm4b:s2+s18], $0x80, s11, s18, $0xb8;
	[tilespmem:$0x1D000] =	vst v63  }
0x2ba: {  	_ =	swait.ge [sflag:s22], $0x3E80  }
0x2bb: {  	[sflag:s22] =	ssyncset.done $0x0  }
0x2bc: {  	s14 =	simm.s32 $0x14C00;
	[sflag:s22] =	ssyncadd.s32 $0xFFFFC180  }
0x2bd: {  	[spmem:s3] =	stream.indirect.scatter.add.f32 [tilespmem:s19], [sflag:$0x3], $0x80, s14, s18, $0xb8;
	[tilespmem:$0x1D000] =	vst v63  }
0x2be: {  	_ =	swait.ge [sflag:s15], $0x3E80  }
0x2bf: {  	[sflag:s15] =	ssyncset.done $0x0  }
0x2c0: {  	[sflag:s15] =	ssyncadd.s32 $0xFFFFC180  }
0x2c1: {  	_ =	swait.ge [sflag:s23], $0x3E80  }
0x2c2: {  	[sflag:s23] =	ssyncset.done $0x0  }
0x2c3: {  	s20 =	simm.s32 $0x14C80;
	[sflag:s23] =	ssyncadd.s32 $0xFFFFC180  }
0x2c4: {  	[spmem:s3] =	stream.indirect.scatter.add.f32 [tilespmem:s21], [sflag:$0x3], $0x80, s20, s18, $0xb8;
	[tilespmem:$0x1D000] =	vst v63  }
0x2c5: {  	_ =	swait.ge [sflag:s15], $0x3E80  }
0x2c6: {  	[sflag:s15] =	ssyncset.done $0x0  }
0x2c7: {  	s10 =	simm.s32 $0x14500;
	[sflag:s15] =	ssyncadd.s32 $0xFFFFC180  }
0x2c8: {  	[tilespmem:s19], [sflag:$0x1] =	stream.indirect.gather [hbm4b:s2+s18], $0x80, s10, s18, $0xb8;
	[tilespmem:$0x1D000] =	vst v63  }
0x2c9: {  	s11 =	simm.s32 $0x14580  }
0x2ca: {  	[tilespmem:s21], [sflag:$0x2] =	stream.indirect.gather [hbm4b:s2+s18], $0x80, s11, s18, $0xb8;
	[tilespmem:$0x1D000] =	vst v63  }
0x2cb: {  	_ =	swait.ge [sflag:s22], $0x3E80  }
0x2cc: {  	[sflag:s22] =	ssyncset.done $0x0  }
0x2cd: {  	s14 =	simm.s32 $0x14D00;
	[sflag:s22] =	ssyncadd.s32 $0xFFFFC180  }
0x2ce: {  	[spmem:s3] =	stream.indirect.scatter.add.f32 [tilespmem:s19], [sflag:$0x3], $0x80, s14, s18, $0xb8;
	[tilespmem:$0x1D000] =	vst v63  }
0x2cf: {  	_ =	swait.ge [sflag:s15], $0x3E80  }
0x2d0: {  	[sflag:s15] =	ssyncset.done $0x0  }
0x2d1: {  	[sflag:s15] =	ssyncadd.s32 $0xFFFFC180  }
0x2d2: {  	_ =	swait.ge [sflag:s23], $0x3E80  }
0x2d3: {  	[sflag:s23] =	ssyncset.done $0x0  }
0x2d4: {  	s20 =	simm.s32 $0x14D80;
	[sflag:s23] =	ssyncadd.s32 $0xFFFFC180  }
0x2d5: {  	[spmem:s3] =	stream.indirect.scatter.add.f32 [tilespmem:s21], [sflag:$0x3], $0x80, s20, s18, $0xb8;
	[tilespmem:$0x1D000] =	vst v63  }
0x2d6: {  	_ =	swait.ge [sflag:s15], $0x3E80  }
0x2d7: {  	[sflag:s15] =	ssyncset.done $0x0  }
0x2d8: {  	s10 =	simm.s32 $0x14600;
	[sflag:s15] =	ssyncadd.s32 $0xFFFFC180  }
0x2d9: {  	[tilespmem:s19], [sflag:$0x1] =	stream.indirect.gather [hbm4b:s2+s18], $0x80, s10, s18, $0xb8;
	[tilespmem:$0x1D000] =	vst v63  }
0x2da: {  	s11 =	simm.s32 $0x14680  }
0x2db: {  	[tilespmem:s21], [sflag:$0x2] =	stream.indirect.gather [hbm4b:s2+s18], $0x80, s11, s18, $0xb8;
	[tilespmem:$0x1D000] =	vst v63  }
0x2dc: {  	_ =	swait.ge [sflag:s22], $0x3E80  }
0x2dd: {  	[sflag:s22] =	ssyncset.done $0x0  }
0x2de: {  	s14 =	simm.s32 $0x14E00;
	[sflag:s22] =	ssyncadd.s32 $0xFFFFC180  }
0x2df: {  	[spmem:s3] =	stream.indirect.scatter.add.f32 [tilespmem:s19], [sflag:$0x3], $0x80, s14, s18, $0xb8;
	[tilespmem:$0x1D000] =	vst v63  }
0x2e0: {  	_ =	swait.ge [sflag:s15], $0x3E80  }
0x2e1: {  	[sflag:s15] =	ssyncset.done $0x0  }
0x2e2: {  	[sflag:s15] =	ssyncadd.s32 $0xFFFFC180  }
0x2e3: {  	_ =	swait.ge [sflag:s23], $0x3E80  }
0x2e4: {  	[sflag:s23] =	ssyncset.done $0x0  }
0x2e5: {  	s20 =	simm.s32 $0x14E80;
	[sflag:s23] =	ssyncadd.s32 $0xFFFFC180  }
0x2e6: {  	[spmem:s3] =	stream.indirect.scatter.add.f32 [tilespmem:s21], [sflag:$0x3], $0x80, s20, s18, $0xb8;
	[tilespmem:$0x1D000] =	vst v63  }
0x2e7: {  	_ =	swait.ge [sflag:s15], $0x3E80  }
0x2e8: {  	[sflag:s15] =	ssyncset.done $0x0  }
0x2e9: {  	s10 =	simm.s32 $0x14700;
	[sflag:s15] =	ssyncadd.s32 $0xFFFFC180  }
0x2ea: {  	[tilespmem:s19], [sflag:$0x1] =	stream.indirect.gather [hbm4b:s2+s18], $0x80, s10, s18, $0xb8;
	[tilespmem:$0x1D000] =	vst v63  }
0x2eb: {  	s11 =	simm.s32 $0x14780  }
0x2ec: {  	[tilespmem:s21], [sflag:$0x2] =	stream.indirect.gather [hbm4b:s2+s18], $0x80, s11, s18, $0xb8;
	[tilespmem:$0x1D000] =	vst v63  }
0x2ed: {  	_ =	swait.ge [sflag:s22], $0x3E80  }
0x2ee: {  	[sflag:s22] =	ssyncset.done $0x0  }
0x2ef: {  	s14 =	simm.s32 $0x14F00;
	[sflag:s22] =	ssyncadd.s32 $0xFFFFC180  }
0x2f0: {  	[spmem:s3] =	stream.indirect.scatter.add.f32 [tilespmem:s19], [sflag:$0x3], $0x80, s14, s18, $0xb8;
	[tilespmem:$0x1D000] =	vst v63  }
0x2f1: {  	_ =	swait.ge [sflag:s15], $0x3E80  }
0x2f2: {  	[sflag:s15] =	ssyncset.done $0x0  }
0x2f3: {  	[sflag:s15] =	ssyncadd.s32 $0xFFFFC180  }
0x2f4: {  	_ =	swait.ge [sflag:s23], $0x3E80  }
0x2f5: {  	[sflag:s23] =	ssyncset.done $0x0  }
0x2f6: {  	s20 =	simm.s32 $0x14F80;
	[sflag:s23] =	ssyncadd.s32 $0xFFFFC180  }
0x2f7: {  	[spmem:s3] =	stream.indirect.scatter.add.f32 [tilespmem:s21], [sflag:$0x3], $0x80, s20, s18, $0xb8;
	[tilespmem:$0x1D000] =	vst v63  }
0x2f8: {  	_ =	swait.ge [sflag:s15], $0x3E80  }
0x2f9: {  	s9 =	simm.s32 $0x200;
	s10 =	simm.s32 $0x100;
	[sflag:s15] =	ssyncset.done $0x0  }
.LBB2_6:
0x2fa: {  	s14 =	sadd.s32 s10, s13  }
0x2fb: {  	[sflag:s15] =	ssyncadd.s32 $0xFFFFC180;
	s20 =	smov.u32 s9;
	s11 =	sadd.s32 $0x100, s9  }
0x2fc: {  	[tilespmem:s16], [sflag:$0x3] =	stream.linear.gather [hbm4b:s14+s5], $0x800, $0x38;
	[tilespmem:$0x1D000] =	vst v63  }
0x2fd: {  	s14 =	simm.s32 $0x14080  }
0x2fe: {  	p1 =	sne.s32 s9, $0x900;
	_ =	swait.ge [sflag:s15], $0x800  }
0x2ff: {  	s9 =	sadd.s32 s10, s12;
	[sflag:s15] =	ssyncset.done $0x0  }
0x300: {  	s10 =	smov.u32 s20;
	s20 =	simm.s32 $0x14880;
	[sflag:s15] =	ssyncadd.s32 $0xFFFFF800  }
0x301: {  	[tilespmem:s17], [sflag:$0x3] =	stream.linear.gather [hbm4b:s9+s5], $0x800, $0x38;
	[tilespmem:$0x1D000] =	vst v63  }
0x302: {  	_ =	swait.ge [sflag:s15], $0x800  }
0x303: {  	[sflag:s15] =	ssyncset.done $0x0  }
0x304: {  	[sflag:s15] =	ssyncadd.s32 $0xFFFFF800  }
0x305: {  	[tilespmem:s19], [sflag:$0x1] =	stream.indirect.gather [hbm4b:s2+s18], $0x80, s16, s18, $0xb8;
	[tilespmem:$0x1D000] =	vst v63  }
0x306: {  	_ = 	snop  }
0x307: {  	[tilespmem:s21], [sflag:$0x2] =	stream.indirect.gather [hbm4b:s2+s18], $0x80, s14, s18, $0xb8;
	[tilespmem:$0x1D000] =	vst v63  }
0x308: {  	_ =	swait.ge [sflag:s22], $0x3E80  }
0x309: {  	[sflag:s22] =	ssyncset.done $0x0  }
0x30a: {  	[sflag:s22] =	ssyncadd.s32 $0xFFFFC180  }
0x30b: {  	[spmem:s3] =	stream.indirect.scatter.add.f32 [tilespmem:s19], [sflag:$0x3], $0x80, s17, s18, $0xb8;
	[tilespmem:$0x1D000] =	vst v63  }
0x30c: {  	_ =	swait.ge [sflag:s15], $0x3E80  }
0x30d: {  	[sflag:s15] =	ssyncset.done $0x0  }
0x30e: {  	[sflag:s15] =	ssyncadd.s32 $0xFFFFC180  }
0x30f: {  	_ =	swait.ge [sflag:s23], $0x3E80  }
0x310: {  	[sflag:s23] =	ssyncset.done $0x0  }
0x311: {  	[sflag:s23] =	ssyncadd.s32 $0xFFFFC180  }
0x312: {  	[spmem:s3] =	stream.indirect.scatter.add.f32 [tilespmem:s21], [sflag:$0x3], $0x80, s20, s18, $0xb8;
	[tilespmem:$0x1D000] =	vst v63  }
0x313: {  	_ =	swait.ge [sflag:s15], $0x3E80  }
0x314: {  	[sflag:s15] =	ssyncset.done $0x0  }
0x315: {  	[sflag:s15] =	ssyncadd.s32 $0xFFFFC180  }
0x316: {  	[tilespmem:s19], [sflag:$0x1] =	stream.indirect.gather [hbm4b:s2+s18], $0x80, s24, s18, $0xb8;
	[tilespmem:$0x1D000] =	vst v63  }
0x317: {  	_ = 	snop  }
0x318: {  	[tilespmem:s21], [sflag:$0x2] =	stream.indirect.gather [hbm4b:s2+s18], $0x80, s25, s18, $0xb8;
	[tilespmem:$0x1D000] =	vst v63  }
0x319: {  	_ =	swait.ge [sflag:s22], $0x3E80  }
0x31a: {  	[sflag:s22] =	ssyncset.done $0x0  }
0x31b: {  	[sflag:s22] =	ssyncadd.s32 $0xFFFFC180  }
0x31c: {  	[spmem:s3] =	stream.indirect.scatter.add.f32 [tilespmem:s19], [sflag:$0x3], $0x80, s26, s18, $0xb8;
	[tilespmem:$0x1D000] =	vst v63  }
0x31d: {  	_ =	swait.ge [sflag:s15], $0x3E80  }
0x31e: {  	[sflag:s15] =	ssyncset.done $0x0  }
0x31f: {  	[sflag:s15] =	ssyncadd.s32 $0xFFFFC180  }
0x320: {  	_ =	swait.ge [sflag:s23], $0x3E80  }
0x321: {  	[sflag:s23] =	ssyncset.done $0x0  }
0x322: {  	[sflag:s23] =	ssyncadd.s32 $0xFFFFC180  }
0x323: {  	[spmem:s3] =	stream.indirect.scatter.add.f32 [tilespmem:s21], [sflag:$0x3], $0x80, s28, s18, $0xb8;
	[tilespmem:$0x1D000] =	vst v63  }
0x324: {  	_ =	swait.ge [sflag:s15], $0x3E80  }
0x325: {  	[sflag:s15] =	ssyncset.done $0x0  }
0x326: {  	[sflag:s15] =	ssyncadd.s32 $0xFFFFC180  }
0x327: {  	[tilespmem:s19], [sflag:$0x1] =	stream.indirect.gather [hbm4b:s2+s18], $0x80, s29, s18, $0xb8;
	[tilespmem:$0x1D000] =	vst v63  }
0x328: {  	_ = 	snop  }
0x329: {  	[tilespmem:s21], [sflag:$0x2] =	stream.indirect.gather [hbm4b:s2+s18], $0x80, s30, s18, $0xb8;
	[tilespmem:$0x1D000] =	vst v63  }
0x32a: {  	_ =	swait.ge [sflag:s22], $0x3E80  }
0x32b: {  	[sflag:s22] =	ssyncset.done $0x0  }
0x32c: {  	[sflag:s22] =	ssyncadd.s32 $0xFFFFC180  }
0x32d: {  	[spmem:s3] =	stream.indirect.scatter.add.f32 [tilespmem:s19], [sflag:$0x3], $0x80, s31, s18, $0xb8;
	[tilespmem:$0x1D000] =	vst v63  }
0x32e: {  	_ =	swait.ge [sflag:s15], $0x3E80  }
0x32f: {  	[sflag:s15] =	ssyncset.done $0x0  }
0x330: {  	[sflag:s15] =	ssyncadd.s32 $0xFFFFC180  }
0x331: {  	_ =	swait.ge [sflag:s23], $0x3E80  }
0x332: {  	[sflag:s23] =	ssyncset.done $0x0  }
0x333: {  	[sflag:s23] =	ssyncadd.s32 $0xFFFFC180  }
0x334: {  	[spmem:s3] =	stream.indirect.scatter.add.f32 [tilespmem:s21], [sflag:$0x3], $0x80, s0, s18, $0xb8;
	[tilespmem:$0x1D000] =	vst v63  }
0x335: {  	_ =	swait.ge [sflag:s15], $0x3E80  }
0x336: {  	[sflag:s15] =	ssyncset.done $0x0  }
0x337: {  	[sflag:s15] =	ssyncadd.s32 $0xFFFFC180  }
0x338: {  	[tilespmem:s19], [sflag:$0x1] =	stream.indirect.gather [hbm4b:s2+s18], $0x80, s4, s18, $0xb8;
	[tilespmem:$0x1D000] =	vst v63  }
0x339: {  	_ = 	snop  }
0x33a: {  	[tilespmem:s21], [sflag:$0x2] =	stream.indirect.gather [hbm4b:s2+s18], $0x80, s7, s18, $0xb8;
	[tilespmem:$0x1D000] =	vst v63  }
0x33b: {  	_ =	swait.ge [sflag:s22], $0x3E80  }
0x33c: {  	[sflag:s22] =	ssyncset.done $0x0  }
0x33d: {  	[sflag:s22] =	ssyncadd.s32 $0xFFFFC180  }
0x33e: {  	[spmem:s3] =	stream.indirect.scatter.add.f32 [tilespmem:s19], [sflag:$0x3], $0x80, s8, s18, $0xb8;
	[tilespmem:$0x1D000] =	vst v63  }
0x33f: {  	_ =	swait.ge [sflag:s15], $0x3E80  }
0x340: {  	[sflag:s15] =	ssyncset.done $0x0  }
0x341: {  	[sflag:s15] =	ssyncadd.s32 $0xFFFFC180  }
0x342: {  	_ =	swait.ge [sflag:s23], $0x3E80  }
0x343: {  	[sflag:s23] =	ssyncset.done $0x0  }
0x344: {  	[sflag:s23] =	ssyncadd.s32 $0xFFFFC180  }
0x345: {  	[spmem:s3] =	stream.indirect.scatter.add.f32 [tilespmem:s21], [sflag:$0x3], $0x80, s6, s18, $0xb8;
	[tilespmem:$0x1D000] =	vst v63  }
0x346: {  	_ =	swait.ge [sflag:s15], $0x3E80  }
0x347: {  	[sflag:s15] =	ssyncset.done $0x0  }
0x348: {  	s9 =	simm.s32 $0x14400;
	[sflag:s15] =	ssyncadd.s32 $0xFFFFC180  }
0x349: {  	[tilespmem:s19], [sflag:$0x1] =	stream.indirect.gather [hbm4b:s2+s18], $0x80, s9, s18, $0xb8;
	[tilespmem:$0x1D000] =	vst v63  }
0x34a: {  	s9 =	simm.s32 $0x14480  }
0x34b: {  	[tilespmem:s21], [sflag:$0x2] =	stream.indirect.gather [hbm4b:s2+s18], $0x80, s9, s18, $0xb8;
	[tilespmem:$0x1D000] =	vst v63  }
0x34c: {  	_ =	swait.ge [sflag:s22], $0x3E80  }
0x34d: {  	[sflag:s22] =	ssyncset.done $0x0  }
0x34e: {  	s9 =	simm.s32 $0x14C00;
	[sflag:s22] =	ssyncadd.s32 $0xFFFFC180  }
0x34f: {  	[spmem:s3] =	stream.indirect.scatter.add.f32 [tilespmem:s19], [sflag:$0x3], $0x80, s9, s18, $0xb8;
	[tilespmem:$0x1D000] =	vst v63  }
0x350: {  	_ =	swait.ge [sflag:s15], $0x3E80  }
0x351: {  	[sflag:s15] =	ssyncset.done $0x0  }
0x352: {  	[sflag:s15] =	ssyncadd.s32 $0xFFFFC180  }
0x353: {  	_ =	swait.ge [sflag:s23], $0x3E80  }
0x354: {  	[sflag:s23] =	ssyncset.done $0x0  }
0x355: {  	s9 =	simm.s32 $0x14C80;
	[sflag:s23] =	ssyncadd.s32 $0xFFFFC180  }
0x356: {  	[spmem:s3] =	stream.indirect.scatter.add.f32 [tilespmem:s21], [sflag:$0x3], $0x80, s9, s18, $0xb8;
	[tilespmem:$0x1D000] =	vst v63  }
0x357: {  	_ =	swait.ge [sflag:s15], $0x3E80  }
0x358: {  	[sflag:s15] =	ssyncset.done $0x0  }
0x359: {  	s9 =	simm.s32 $0x14500;
	[sflag:s15] =	ssyncadd.s32 $0xFFFFC180  }
0x35a: {  	[tilespmem:s19], [sflag:$0x1] =	stream.indirect.gather [hbm4b:s2+s18], $0x80, s9, s18, $0xb8;
	[tilespmem:$0x1D000] =	vst v63  }
0x35b: {  	s9 =	simm.s32 $0x14580  }
0x35c: {  	[tilespmem:s21], [sflag:$0x2] =	stream.indirect.gather [hbm4b:s2+s18], $0x80, s9, s18, $0xb8;
	[tilespmem:$0x1D000] =	vst v63  }
0x35d: {  	_ =	swait.ge [sflag:s22], $0x3E80  }
0x35e: {  	[sflag:s22] =	ssyncset.done $0x0  }
0x35f: {  	s9 =	simm.s32 $0x14D00;
	[sflag:s22] =	ssyncadd.s32 $0xFFFFC180  }
0x360: {  	[spmem:s3] =	stream.indirect.scatter.add.f32 [tilespmem:s19], [sflag:$0x3], $0x80, s9, s18, $0xb8;
	[tilespmem:$0x1D000] =	vst v63  }
0x361: {  	_ =	swait.ge [sflag:s15], $0x3E80  }
0x362: {  	[sflag:s15] =	ssyncset.done $0x0  }
0x363: {  	[sflag:s15] =	ssyncadd.s32 $0xFFFFC180  }
0x364: {  	_ =	swait.ge [sflag:s23], $0x3E80  }
0x365: {  	[sflag:s23] =	ssyncset.done $0x0  }
0x366: {  	s9 =	simm.s32 $0x14D80;
	[sflag:s23] =	ssyncadd.s32 $0xFFFFC180  }
0x367: {  	[spmem:s3] =	stream.indirect.scatter.add.f32 [tilespmem:s21], [sflag:$0x3], $0x80, s9, s18, $0xb8;
	[tilespmem:$0x1D000] =	vst v63  }
0x368: {  	_ =	swait.ge [sflag:s15], $0x3E80  }
0x369: {  	[sflag:s15] =	ssyncset.done $0x0  }
0x36a: {  	s9 =	simm.s32 $0x14600;
	[sflag:s15] =	ssyncadd.s32 $0xFFFFC180  }
0x36b: {  	[tilespmem:s19], [sflag:$0x1] =	stream.indirect.gather [hbm4b:s2+s18], $0x80, s9, s18, $0xb8;
	[tilespmem:$0x1D000] =	vst v63  }
0x36c: {  	s9 =	simm.s32 $0x14680  }
0x36d: {  	[tilespmem:s21], [sflag:$0x2] =	stream.indirect.gather [hbm4b:s2+s18], $0x80, s9, s18, $0xb8;
	[tilespmem:$0x1D000] =	vst v63  }
0x36e: {  	_ =	swait.ge [sflag:s22], $0x3E80  }
0x36f: {  	[sflag:s22] =	ssyncset.done $0x0  }
0x370: {  	s9 =	simm.s32 $0x14E00;
	[sflag:s22] =	ssyncadd.s32 $0xFFFFC180  }
0x371: {  	[spmem:s3] =	stream.indirect.scatter.add.f32 [tilespmem:s19], [sflag:$0x3], $0x80, s9, s18, $0xb8;
	[tilespmem:$0x1D000] =	vst v63  }
0x372: {  	_ =	swait.ge [sflag:s15], $0x3E80  }
0x373: {  	[sflag:s15] =	ssyncset.done $0x0  }
0x374: {  	[sflag:s15] =	ssyncadd.s32 $0xFFFFC180  }
0x375: {  	_ =	swait.ge [sflag:s23], $0x3E80  }
0x376: {  	[sflag:s23] =	ssyncset.done $0x0  }
0x377: {  	s9 =	simm.s32 $0x14E80;
	[sflag:s23] =	ssyncadd.s32 $0xFFFFC180  }
0x378: {  	[spmem:s3] =	stream.indirect.scatter.add.f32 [tilespmem:s21], [sflag:$0x3], $0x80, s9, s18, $0xb8;
	[tilespmem:$0x1D000] =	vst v63  }
0x379: {  	_ =	swait.ge [sflag:s15], $0x3E80  }
0x37a: {  	[sflag:s15] =	ssyncset.done $0x0  }
0x37b: {  	s9 =	simm.s32 $0x14700;
	[sflag:s15] =	ssyncadd.s32 $0xFFFFC180  }
0x37c: {  	[tilespmem:s19], [sflag:$0x1] =	stream.indirect.gather [hbm4b:s2+s18], $0x80, s9, s18, $0xb8;
	[tilespmem:$0x1D000] =	vst v63  }
0x37d: {  	s9 =	simm.s32 $0x14780  }
0x37e: {  	[tilespmem:s21], [sflag:$0x2] =	stream.indirect.gather [hbm4b:s2+s18], $0x80, s9, s18, $0xb8;
	[tilespmem:$0x1D000] =	vst v63  }
0x37f: {  	_ =	swait.ge [sflag:s22], $0x3E80  }
0x380: {  	[sflag:s22] =	ssyncset.done $0x0  }
0x381: {  	s9 =	simm.s32 $0x14F00;
	[sflag:s22] =	ssyncadd.s32 $0xFFFFC180  }
0x382: {  	[spmem:s3] =	stream.indirect.scatter.add.f32 [tilespmem:s19], [sflag:$0x3], $0x80, s9, s18, $0xb8;
	[tilespmem:$0x1D000] =	vst v63  }
0x383: {  	_ =	swait.ge [sflag:s15], $0x3E80  }
0x384: {  	[sflag:s15] =	ssyncset.done $0x0  }
0x385: {  	[sflag:s15] =	ssyncadd.s32 $0xFFFFC180  }
0x386: {  	_ =	swait.ge [sflag:s23], $0x3E80  }
.Ltmp5:
0x387: {  	[sflag:s23] =	ssyncset.done $0x0;
	(pc) =	sbr.rel @p1 .LBB2_6-.Ltmp5, $4  }
0x388: {  	s9 =	simm.s32 $0x14F80;
	[sflag:s23] =	ssyncadd.s32 $0xFFFFC180  }
0x389: {  	[spmem:s3] =	stream.indirect.scatter.add.f32 [tilespmem:s21], [sflag:$0x3], $0x80, s9, s18, $0xb8;
	[tilespmem:$0x1D000] =	vst v63  }
0x38a: {  	_ =	swait.ge [sflag:s15], $0x3E80  }
0x38b: {  	s9 =	smov.u32 s11;
	[sflag:s15] =	ssyncset.done $0x0  }
.Ltmp6:
0x38c: {  	_ = 	snop;
	(pc) =	sbr.rel .LBB2_7-.Ltmp6, $1  }
0x38d: {  	_ =	sdelay $0x3  }
.LBB2_9:
0x38e: {  	_ =	sfence.sel $0x180000  }
0x38f: {  	[bflag:$0x0] =	sbarrier.arrive $0xFFFF  }
0x390: {  	_ =	strace $0x90000047  }
0x391: {  	s0 =	stileid.u32;
	[bflag:$0x2] =	sbarrier.arrive $0xFFFF  }
0x392: {  	p0 =	sne.s32 s0, $0x0;
	s0 =	rddreg [dreg:$0x6]  }
0x393: {  	s0 =	sadd.s32 @!p0 $0x100000, s0  }
0x394: {  	[sflag:s0] =	ssyncadd.tile.s32 @!p0 $0x1;
	_ =	shalt  }
.Lfunc_end2:
_tile_overlayer_lowered:
.L_overlay_start_2:
0x395: {  	(tag) =	ssettag $0x2  }
0x396: {  	s0 =	rddreg [dreg:$0x0];
	s2 =	stileid.u32  }
0x397: {  	s1 =	rddreg [dreg:$0x1];
	p0 =	sne.s32 s2, $0x0  }
0x398: {  	s3 =	rddreg [dreg:$0x2];
	[bflag:$0x3] =	sbarrier.arrive $0xFFFF;
	s2 =	simm.s32 @!p0 $0x1C03  }
0x399: {  	[timem:s3], [sflag:s2] =	dma.local @!p0 [hbm:s0], s1  }
0x39a: {  	s0 =	simm.s32 @!p0 $0x3  }
0x39b: {  	_ =	swait.ge @!p0 [sflag:s0], s1  }
0x39c: {  	s1 =	ssub.s32 @!p0 $0x0, s1;
	[sflag:s0] =	ssyncset.done @!p0 $0x0  }
0x39d: {  	[sflag:s0] =	ssyncadd.s32 @!p0 s1  }
0x39e: {  	[bflag:$0x3] =	sbarrier.arrive $0xFFFF  }
0x39f: {  	_ =	shalt  }

</sc_bundles>
